<compile_context>
chip_gen: v7x
topology: tpu7x:2x2x1
jax: 0.10.2.dev20260603
libtpu: 0.0.44.dev20260713+nightly
codegen_flags: <defaults>
</compile_context>

<pallas_src>
import functools

import jax
import jax.numpy as jnp
from jax import lax
from jax.experimental import pallas as pl
from jax.experimental.pallas import tpu as pltpu
from jax.experimental.pallas import tpu_sc as plsc

N_EXP = 8
BLOCK = 4096
CHUNKS = 4
N_WORKERS = 32
LANES = 16


def _scores_kernel(x_ref, w_ref, b_ref, s_ref):
    x = x_ref[...]
    w = w_ref[...]
    s = jax.lax.dot_general(
        w, x, (((1,), (1,)), ((), ())),
        preferred_element_type=jnp.float32,
    )
    s_ref[...] = s + b_ref[...][:, None]


def _routing_kernel(tok_per_w, chunk_base, s_hbm, out_hbm, s_v, out_v):
    wid = lax.axis_index("s") * 2 + lax.axis_index("c")
    base = wid * tok_per_w
    pltpu.sync_copy(s_hbm.at[:, pl.ds(base, tok_per_w)], s_v)

    lane = lax.iota(jnp.int32, LANES)
    zeros = jnp.zeros((LANES,), jnp.float32)

    def body(t, carry):
        svec = [s_v[e, pl.ds(t * LANES, LANES)] for e in range(N_EXP)]
        m = svec[0]
        for e in range(1, N_EXP):
            m = jnp.maximum(m, svec[e])
        denom = jnp.exp(svec[0] - m)
        amax = jnp.where(svec[0] == m, 0, N_EXP)
        for e in range(1, N_EXP):
            denom = denom + jnp.exp(svec[e] - m)
            amax = jnp.minimum(amax, jnp.where(svec[e] == m, e, N_EXP))
        val = 1.0 / denom
        t_vec = t * LANES + lane
        for j in range(N_EXP):
            out_v[j, pl.ds(t * LANES, LANES)] = zeros
        plsc.store_scatter(out_v, [amax, t_vec], val)
        return carry

    lax.fori_loop(0, tok_per_w // LANES, body, 0)
    pltpu.sync_copy(
        out_v, out_hbm.at[:, pl.ds(chunk_base + base, tok_per_w)])


def kernel(x, W, b):
    n_tokens, c_in = x.shape
    chunk = n_tokens // CHUNKS
    tok_per_w = chunk // N_WORKERS

    out_ref = jax.new_ref(jax.lax.empty((N_EXP, n_tokens), jnp.float32))
    mesh = plsc.VectorSubcoreMesh(core_axis_name="c", subcore_axis_name="s")

    for c in range(CHUNKS):
        scores_c = pl.pallas_call(
            _scores_kernel,
            grid=(chunk // BLOCK,),
            in_specs=[
                pl.BlockSpec((BLOCK, c_in),
                             lambda i, c=c: (c * (chunk // BLOCK) + i, 0)),
                pl.BlockSpec((N_EXP, c_in), lambda i: (0, 0)),
                pl.BlockSpec((N_EXP,), lambda i: (0,)),
            ],
            out_specs=pl.BlockSpec((N_EXP, BLOCK), lambda i: (0, i)),
            out_shape=jax.ShapeDtypeStruct((N_EXP, chunk), jnp.float32),
        )(x, W, b)

        routing = functools.partial(
            pl.kernel,
            mesh=mesh,
            compiler_params=pltpu.CompilerParams(
                needs_layout_passes=False, use_tc_tiling_on_sc=True),
            scratch_types=[
                pltpu.VMEM((N_EXP, tok_per_w), jnp.float32),
                pltpu.VMEM((N_EXP, tok_per_w), jnp.float32),
            ],
        )(functools.partial(_routing_kernel, tok_per_w, c * chunk))
        routing(scores_c, out_ref)
    return jax.freeze(out_ref).T

# --- scband reference (transcript-rebuilt; emitter-appended) ---
"""Pipeline reference for scband-topk-gate-28793460752946 (READ-ONLY COPY).

The authoritative reference and input builder live on the scoring server;
editing this copy changes nothing except your own understanding.
"""

import jax, jax.numpy as jnp
import numpy as np

N_TOKENS = 32768
C_IN = 768
N_EXP = 8
TOPK = 1

def setup_inputs(seed: int = 0) -> dict:
    key = jax.random.key(seed)
    k1, k2, k3 = jax.random.split(key, 3)
    x = jax.random.normal(k1, (N_TOKENS, C_IN), dtype=jnp.float32)
    # nn.Linear(c_in, n_exp): weight [n_exp, c_in], bias [n_exp]
    bound = 1.0 / np.sqrt(C_IN)
    W = jax.random.uniform(k2, (N_EXP, C_IN), dtype=jnp.float32, minval=-bound, maxval=bound)
    b = jax.random.uniform(k3, (N_EXP,), dtype=jnp.float32, minval=-bound, maxval=bound)
    return {"x": x, "W": W, "b": b}

def reference(x, W, b):
    # gate linear
    scores = x @ W.T + b
    # softmax over experts
    scores = jax.nn.softmax(scores, axis=-1)
    # top-k selection
    values, indices = jax.lax.top_k(scores, TOPK)
    # scatter values back into a zero tensor of the same shape as scores
    rows = jnp.arange(scores.shape[0])[:, None]
    gate_out = jnp.zeros_like(scores).at[rows, indices].set(values)
    return gate_out

if __name__ == "__main__":
    import jax
    _d = setup_inputs()
    print(jax.jit(kernel)(*tuple(_d.values())))

</pallas_src>

<mosaic_0001>
#map = affine_map<(d0, d1) -> (0, 0)>
module attributes {stable_mosaic.version = 14 : i64} {
  func.func @new_body(%arg0: i32, %arg1: i32, %arg2: memref<8x8192xf32, #tpu.memory_space<hbm>>, %arg3: memref<8x32768xf32, #tpu.memory_space<hbm>>, %arg4: memref<8x32768xf32, #tpu.memory_space<hbm>>, %arg5: memref<8x256xf32, #tpu.memory_space<vmem>>, %arg6: memref<8x256xf32, #tpu.memory_space<vmem>>) attributes {dimension_semantics = [#tpu.dimension_semantics<core_parallel>, #tpu.dimension_semantics<subcore_parallel>], iteration_bounds = array<i64: 2, 16>, scalar_prefetch = 0 : i64, scratch_operands = 2 : i64, tpu.core_type = #tpu.core_type<sc_vector_subcore>, window_params = [{transform_indices = #map}, {transform_indices = #map}, {transform_indices = #map}]} {
    %mul3A = arith.constant 2 : i32
    %mul3A_0 = arith.muli %arg1, %mul3A : i32
    %add3A = arith.addi %mul3A_0, %arg0 : i32
    %mul3A_1 = arith.constant 256 : i32
    %mul3A_2 = arith.muli %add3A, %mul3A_1 : i32
    "tpu.region"() ({
      %run_scoped3A = tpu.sem_alloc : memref<!tpu.dma_semaphore, #tpu.memory_space<semaphore_mem>>
      %dma_start3A = arith.constant 0 : i32
      %dma_start3A_11 = tpu.memref_slice %arg2[%dma_start3A, %mul3A_2] : memref<8x8192xf32, #tpu.memory_space<hbm>> -> memref<8x256xf32, #tpu.memory_space<hbm>>
      %dma_start3A_12 = arith.constant 0 : i32
      %dma_start3A_13 = tpu.memref_slice %arg2[%dma_start3A_12, %mul3A_2] : memref<8x8192xf32, #tpu.memory_space<hbm>> -> memref<8x256xf32, #tpu.memory_space<hbm>>
      tpu.enqueue_dma source(%dma_start3A_13 : memref<8x256xf32, #tpu.memory_space<hbm>>) target(%arg5 : memref<8x256xf32, #tpu.memory_space<vmem>>) target_semaphore(%run_scoped3A : memref<!tpu.dma_semaphore, #tpu.memory_space<semaphore_mem>>)
      %dma_wait3A = arith.constant 0 : i32
      %dma_wait3A_14 = tpu.memref_slice %arg2[%dma_wait3A, %mul3A_2] : memref<8x8192xf32, #tpu.memory_space<hbm>> -> memref<8x256xf32, #tpu.memory_space<hbm>>
      %dma_wait3A_15 = arith.constant 0 : i32
      %dma_wait3A_16 = tpu.memref_slice %arg2[%dma_wait3A_15, %mul3A_2] : memref<8x8192xf32, #tpu.memory_space<hbm>> -> memref<8x256xf32, #tpu.memory_space<hbm>>
      tpu.wait_dma2 semaphore(%run_scoped3A : memref<!tpu.dma_semaphore, #tpu.memory_space<semaphore_mem>>) src(%dma_wait3A_16 : memref<8x256xf32, #tpu.memory_space<hbm>>) dst(%arg5 : memref<8x256xf32, #tpu.memory_space<vmem>>)
      tpu.yield
    }) : () -> ()
    %iota3A = tpu.iota {dimensions = array<i32: 0>} : vector<16xi32>
    %broadcast_in_dim3A = arith.constant 0.000000e+00 : f32
    %broadcast_in_dim3A_3 = vector.broadcast %broadcast_in_dim3A : f32 to vector<16xf32>
    %scan3A = arith.constant 0 : i32
    %scan3A_4 = arith.constant 0 : i32
    %scan3A_5 = arith.constant 16 : i32
    %scan3A_6 = arith.addi %scan3A_4, %scan3A_5 : i32
    %scan3A_7 = arith.constant 1 : i32
    scf.for %scan3A_11 = %scan3A_4 to %scan3A_6 step %scan3A_7  : i32 {
      %mul3A_12 = arith.constant 16 : i32
      %mul3A_13 = arith.muli %scan3A_11, %mul3A_12 : i32
      %get3A = arith.constant 0 : i32
      %get3A_14 = arith.index_cast %get3A : i32 to index
      %get3A_15 = arith.index_cast %mul3A_13 : i32 to index
      %get3A_16 = tpu.vector_load %arg5[%get3A_14, %get3A_15] {strides = array<i32>} : memref<8x256xf32, #tpu.memory_space<vmem>>, vector<16xf32>,
      %mul3A_17 = arith.constant 16 : i32
      %mul3A_18 = arith.muli %scan3A_11, %mul3A_17 : i32
      %get3A_19 = arith.constant 1 : i32
      %get3A_20 = arith.index_cast %get3A_19 : i32 to index
      %get3A_21 = arith.index_cast %mul3A_18 : i32 to index
      %get3A_22 = tpu.vector_load %arg5[%get3A_20, %get3A_21] {strides = array<i32>} : memref<8x256xf32, #tpu.memory_space<vmem>>, vector<16xf32>,
      %mul3A_23 = arith.constant 16 : i32
      %mul3A_24 = arith.muli %scan3A_11, %mul3A_23 : i32
      %get3A_25 = arith.constant 2 : i32
      %get3A_26 = arith.index_cast %get3A_25 : i32 to index
      %get3A_27 = arith.index_cast %mul3A_24 : i32 to index
      %get3A_28 = tpu.vector_load %arg5[%get3A_26, %get3A_27] {strides = array<i32>} : memref<8x256xf32, #tpu.memory_space<vmem>>, vector<16xf32>,
      %mul3A_29 = arith.constant 16 : i32
      %mul3A_30 = arith.muli %scan3A_11, %mul3A_29 : i32
      %get3A_31 = arith.constant 3 : i32
      %get3A_32 = arith.index_cast %get3A_31 : i32 to index
      %get3A_33 = arith.index_cast %mul3A_30 : i32 to index
      %get3A_34 = tpu.vector_load %arg5[%get3A_32, %get3A_33] {strides = array<i32>} : memref<8x256xf32, #tpu.memory_space<vmem>>, vector<16xf32>,
      %mul3A_35 = arith.constant 16 : i32
      %mul3A_36 = arith.muli %scan3A_11, %mul3A_35 : i32
      %get3A_37 = arith.constant 4 : i32
      %get3A_38 = arith.index_cast %get3A_37 : i32 to index
      %get3A_39 = arith.index_cast %mul3A_36 : i32 to index
      %get3A_40 = tpu.vector_load %arg5[%get3A_38, %get3A_39] {strides = array<i32>} : memref<8x256xf32, #tpu.memory_space<vmem>>, vector<16xf32>,
      %mul3A_41 = arith.constant 16 : i32
      %mul3A_42 = arith.muli %scan3A_11, %mul3A_41 : i32
      %get3A_43 = arith.constant 5 : i32
      %get3A_44 = arith.index_cast %get3A_43 : i32 to index
      %get3A_45 = arith.index_cast %mul3A_42 : i32 to index
      %get3A_46 = tpu.vector_load %arg5[%get3A_44, %get3A_45] {strides = array<i32>} : memref<8x256xf32, #tpu.memory_space<vmem>>, vector<16xf32>,
      %mul3A_47 = arith.constant 16 : i32
      %mul3A_48 = arith.muli %scan3A_11, %mul3A_47 : i32
      %get3A_49 = arith.constant 6 : i32
      %get3A_50 = arith.index_cast %get3A_49 : i32 to index
      %get3A_51 = arith.index_cast %mul3A_48 : i32 to index
      %get3A_52 = tpu.vector_load %arg5[%get3A_50, %get3A_51] {strides = array<i32>} : memref<8x256xf32, #tpu.memory_space<vmem>>, vector<16xf32>,
      %mul3A_53 = arith.constant 16 : i32
      %mul3A_54 = arith.muli %scan3A_11, %mul3A_53 : i32
      %get3A_55 = arith.constant 7 : i32
      %get3A_56 = arith.index_cast %get3A_55 : i32 to index
      %get3A_57 = arith.index_cast %mul3A_54 : i32 to index
      %get3A_58 = tpu.vector_load %arg5[%get3A_56, %get3A_57] {strides = array<i32>} : memref<8x256xf32, #tpu.memory_space<vmem>>, vector<16xf32>,
      %max3A = arith.maximumf %get3A_16, %get3A_22 : vector<16xf32>
      %max3A_59 = arith.maximumf %max3A, %get3A_28 : vector<16xf32>
      %max3A_60 = arith.maximumf %max3A_59, %get3A_34 : vector<16xf32>
      %max3A_61 = arith.maximumf %max3A_60, %get3A_40 : vector<16xf32>
      %max3A_62 = arith.maximumf %max3A_61, %get3A_46 : vector<16xf32>
      %max3A_63 = arith.maximumf %max3A_62, %get3A_52 : vector<16xf32>
      %max3A_64 = arith.maximumf %max3A_63, %get3A_58 : vector<16xf32>
      %sub3A = arith.subf %get3A_16, %max3A_64 : vector<16xf32>
      %exp3A = math.exp %sub3A : vector<16xf32>
      %eq3A = arith.cmpf oeq, %get3A_16, %max3A_64 : vector<16xf32>
      %jit3A = arith.constant 0 : i32
      %jit3A_65 = arith.constant 8 : i32
      %broadcast_in_dim3A_66 = vector.broadcast %jit3A : i32 to vector<16xi32>
      %broadcast_in_dim3A_67 = vector.broadcast %jit3A_65 : i32 to vector<16xi32>
      %select_n3A = arith.select %eq3A, %broadcast_in_dim3A_66, %broadcast_in_dim3A_67 : vector<16xi1>, vector<16xi32>
      %sub3A_68 = arith.subf %get3A_22, %max3A_64 : vector<16xf32>
      %exp3A_69 = math.exp %sub3A_68 : vector<16xf32>
      %add3A_70 = arith.addf %exp3A, %exp3A_69 : vector<16xf32>
      %eq3A_71 = arith.cmpf oeq, %get3A_22, %max3A_64 : vector<16xf32>
      %jit3A_72 = arith.constant 1 : i32
      %jit3A_73 = arith.constant 8 : i32
      %broadcast_in_dim3A_74 = vector.broadcast %jit3A_72 : i32 to vector<16xi32>
      %broadcast_in_dim3A_75 = vector.broadcast %jit3A_73 : i32 to vector<16xi32>
      %select_n3A_76 = arith.select %eq3A_71, %broadcast_in_dim3A_74, %broadcast_in_dim3A_75 : vector<16xi1>, vector<16xi32>
      %min3A = arith.minsi %select_n3A, %select_n3A_76 : vector<16xi32>
      %sub3A_77 = arith.subf %get3A_28, %max3A_64 : vector<16xf32>
      %exp3A_78 = math.exp %sub3A_77 : vector<16xf32>
      %add3A_79 = arith.addf %add3A_70, %exp3A_78 : vector<16xf32>
      %eq3A_80 = arith.cmpf oeq, %get3A_28, %max3A_64 : vector<16xf32>
      %jit3A_81 = arith.constant 2 : i32
      %jit3A_82 = arith.constant 8 : i32
      %broadcast_in_dim3A_83 = vector.broadcast %jit3A_81 : i32 to vector<16xi32>
      %broadcast_in_dim3A_84 = vector.broadcast %jit3A_82 : i32 to vector<16xi32>
      %select_n3A_85 = arith.select %eq3A_80, %broadcast_in_dim3A_83, %broadcast_in_dim3A_84 : vector<16xi1>, vector<16xi32>
      %min3A_86 = arith.minsi %min3A, %select_n3A_85 : vector<16xi32>
      %sub3A_87 = arith.subf %get3A_34, %max3A_64 : vector<16xf32>
      %exp3A_88 = math.exp %sub3A_87 : vector<16xf32>
      %add3A_89 = arith.addf %add3A_79, %exp3A_88 : vector<16xf32>
      %eq3A_90 = arith.cmpf oeq, %get3A_34, %max3A_64 : vector<16xf32>
      %jit3A_91 = arith.constant 3 : i32
      %jit3A_92 = arith.constant 8 : i32
      %broadcast_in_dim3A_93 = vector.broadcast %jit3A_91 : i32 to vector<16xi32>
      %broadcast_in_dim3A_94 = vector.broadcast %jit3A_92 : i32 to vector<16xi32>
      %select_n3A_95 = arith.select %eq3A_90, %broadcast_in_dim3A_93, %broadcast_in_dim3A_94 : vector<16xi1>, vector<16xi32>
      %min3A_96 = arith.minsi %min3A_86, %select_n3A_95 : vector<16xi32>
      %sub3A_97 = arith.subf %get3A_40, %max3A_64 : vector<16xf32>
      %exp3A_98 = math.exp %sub3A_97 : vector<16xf32>
      %add3A_99 = arith.addf %add3A_89, %exp3A_98 : vector<16xf32>
      %eq3A_100 = arith.cmpf oeq, %get3A_40, %max3A_64 : vector<16xf32>
      %jit3A_101 = arith.constant 4 : i32
      %jit3A_102 = arith.constant 8 : i32
      %broadcast_in_dim3A_103 = vector.broadcast %jit3A_101 : i32 to vector<16xi32>
      %broadcast_in_dim3A_104 = vector.broadcast %jit3A_102 : i32 to vector<16xi32>
      %select_n3A_105 = arith.select %eq3A_100, %broadcast_in_dim3A_103, %broadcast_in_dim3A_104 : vector<16xi1>, vector<16xi32>
      %min3A_106 = arith.minsi %min3A_96, %select_n3A_105 : vector<16xi32>
      %sub3A_107 = arith.subf %get3A_46, %max3A_64 : vector<16xf32>
      %exp3A_108 = math.exp %sub3A_107 : vector<16xf32>
      %add3A_109 = arith.addf %add3A_99, %exp3A_108 : vector<16xf32>
      %eq3A_110 = arith.cmpf oeq, %get3A_46, %max3A_64 : vector<16xf32>
      %jit3A_111 = arith.constant 5 : i32
      %jit3A_112 = arith.constant 8 : i32
      %broadcast_in_dim3A_113 = vector.broadcast %jit3A_111 : i32 to vector<16xi32>
      %broadcast_in_dim3A_114 = vector.broadcast %jit3A_112 : i32 to vector<16xi32>
      %select_n3A_115 = arith.select %eq3A_110, %broadcast_in_dim3A_113, %broadcast_in_dim3A_114 : vector<16xi1>, vector<16xi32>
      %min3A_116 = arith.minsi %min3A_106, %select_n3A_115 : vector<16xi32>
      %sub3A_117 = arith.subf %get3A_52, %max3A_64 : vector<16xf32>
      %exp3A_118 = math.exp %sub3A_117 : vector<16xf32>
      %add3A_119 = arith.addf %add3A_109, %exp3A_118 : vector<16xf32>
      %eq3A_120 = arith.cmpf oeq, %get3A_52, %max3A_64 : vector<16xf32>
      %jit3A_121 = arith.constant 6 : i32
      %jit3A_122 = arith.constant 8 : i32
      %broadcast_in_dim3A_123 = vector.broadcast %jit3A_121 : i32 to vector<16xi32>
      %broadcast_in_dim3A_124 = vector.broadcast %jit3A_122 : i32 to vector<16xi32>
      %select_n3A_125 = arith.select %eq3A_120, %broadcast_in_dim3A_123, %broadcast_in_dim3A_124 : vector<16xi1>, vector<16xi32>
      %min3A_126 = arith.minsi %min3A_116, %select_n3A_125 : vector<16xi32>
      %sub3A_127 = arith.subf %get3A_58, %max3A_64 : vector<16xf32>
      %exp3A_128 = math.exp %sub3A_127 : vector<16xf32>
      %add3A_129 = arith.addf %add3A_119, %exp3A_128 : vector<16xf32>
      %eq3A_130 = arith.cmpf oeq, %get3A_58, %max3A_64 : vector<16xf32>
      %jit3A_131 = arith.constant 7 : i32
      %jit3A_132 = arith.constant 8 : i32
      %broadcast_in_dim3A_133 = vector.broadcast %jit3A_131 : i32 to vector<16xi32>
      %broadcast_in_dim3A_134 = vector.broadcast %jit3A_132 : i32 to vector<16xi32>
      %select_n3A_135 = arith.select %eq3A_130, %broadcast_in_dim3A_133, %broadcast_in_dim3A_134 : vector<16xi1>, vector<16xi32>
      %min3A_136 = arith.minsi %min3A_126, %select_n3A_135 : vector<16xi32>
      %div3A = arith.constant 1.000000e+00 : f32
      %div3A_137 = vector.broadcast %div3A : f32 to vector<16xf32>
      %div3A_138 = arith.divf %div3A_137, %add3A_129 : vector<16xf32>
      %mul3A_139 = arith.constant 16 : i32
      %mul3A_140 = arith.muli %scan3A_11, %mul3A_139 : i32
      %add3A_141 = vector.broadcast %mul3A_140 : i32 to vector<16xi32>
      %add3A_142 = arith.addi %add3A_141, %iota3A : vector<16xi32>
      %mul3A_143 = arith.constant 16 : i32
      %mul3A_144 = arith.muli %scan3A_11, %mul3A_143 : i32
      %swap3A = arith.constant 0 : i32
      %swap3A_145 = arith.index_cast %swap3A : i32 to index
      %swap3A_146 = arith.index_cast %mul3A_144 : i32 to index
      %swap3A_147 = tpu.vector_load %arg6[%swap3A_145, %swap3A_146] {strides = array<i32>} : memref<8x256xf32, #tpu.memory_space<vmem>>, vector<16xf32>,
      tpu.vector_store %arg6[%swap3A_145, %swap3A_146], %broadcast_in_dim3A_3 {strides = array<i32>} : memref<8x256xf32, #tpu.memory_space<vmem>>, vector<16xf32>,
      %mul3A_148 = arith.constant 16 : i32
      %mul3A_149 = arith.muli %scan3A_11, %mul3A_148 : i32
      %swap3A_150 = arith.constant 1 : i32
      %swap3A_151 = arith.index_cast %swap3A_150 : i32 to index
      %swap3A_152 = arith.index_cast %mul3A_149 : i32 to index
      %swap3A_153 = tpu.vector_load %arg6[%swap3A_151, %swap3A_152] {strides = array<i32>} : memref<8x256xf32, #tpu.memory_space<vmem>>, vector<16xf32>,
      tpu.vector_store %arg6[%swap3A_151, %swap3A_152], %broadcast_in_dim3A_3 {strides = array<i32>} : memref<8x256xf32, #tpu.memory_space<vmem>>, vector<16xf32>,
      %mul3A_154 = arith.constant 16 : i32
      %mul3A_155 = arith.muli %scan3A_11, %mul3A_154 : i32
      %swap3A_156 = arith.constant 2 : i32
      %swap3A_157 = arith.index_cast %swap3A_156 : i32 to index
      %swap3A_158 = arith.index_cast %mul3A_155 : i32 to index
      %swap3A_159 = tpu.vector_load %arg6[%swap3A_157, %swap3A_158] {strides = array<i32>} : memref<8x256xf32, #tpu.memory_space<vmem>>, vector<16xf32>,
      tpu.vector_store %arg6[%swap3A_157, %swap3A_158], %broadcast_in_dim3A_3 {strides = array<i32>} : memref<8x256xf32, #tpu.memory_space<vmem>>, vector<16xf32>,
      %mul3A_160 = arith.constant 16 : i32
      %mul3A_161 = arith.muli %scan3A_11, %mul3A_160 : i32
      %swap3A_162 = arith.constant 3 : i32
      %swap3A_163 = arith.index_cast %swap3A_162 : i32 to index
      %swap3A_164 = arith.index_cast %mul3A_161 : i32 to index
      %swap3A_165 = tpu.vector_load %arg6[%swap3A_163, %swap3A_164] {strides = array<i32>} : memref<8x256xf32, #tpu.memory_space<vmem>>, vector<16xf32>,
      tpu.vector_store %arg6[%swap3A_163, %swap3A_164], %broadcast_in_dim3A_3 {strides = array<i32>} : memref<8x256xf32, #tpu.memory_space<vmem>>, vector<16xf32>,
      %mul3A_166 = arith.constant 16 : i32
      %mul3A_167 = arith.muli %scan3A_11, %mul3A_166 : i32
      %swap3A_168 = arith.constant 4 : i32
      %swap3A_169 = arith.index_cast %swap3A_168 : i32 to index
      %swap3A_170 = arith.index_cast %mul3A_167 : i32 to index
      %swap3A_171 = tpu.vector_load %arg6[%swap3A_169, %swap3A_170] {strides = array<i32>} : memref<8x256xf32, #tpu.memory_space<vmem>>, vector<16xf32>,
      tpu.vector_store %arg6[%swap3A_169, %swap3A_170], %broadcast_in_dim3A_3 {strides = array<i32>} : memref<8x256xf32, #tpu.memory_space<vmem>>, vector<16xf32>,
      %mul3A_172 = arith.constant 16 : i32
      %mul3A_173 = arith.muli %scan3A_11, %mul3A_172 : i32
      %swap3A_174 = arith.constant 5 : i32
      %swap3A_175 = arith.index_cast %swap3A_174 : i32 to index
      %swap3A_176 = arith.index_cast %mul3A_173 : i32 to index
      %swap3A_177 = tpu.vector_load %arg6[%swap3A_175, %swap3A_176] {strides = array<i32>} : memref<8x256xf32, #tpu.memory_space<vmem>>, vector<16xf32>,
      tpu.vector_store %arg6[%swap3A_175, %swap3A_176], %broadcast_in_dim3A_3 {strides = array<i32>} : memref<8x256xf32, #tpu.memory_space<vmem>>, vector<16xf32>,
      %mul3A_178 = arith.constant 16 : i32
      %mul3A_179 = arith.muli %scan3A_11, %mul3A_178 : i32
      %swap3A_180 = arith.constant 6 : i32
      %swap3A_181 = arith.index_cast %swap3A_180 : i32 to index
      %swap3A_182 = arith.index_cast %mul3A_179 : i32 to index
      %swap3A_183 = tpu.vector_load %arg6[%swap3A_181, %swap3A_182] {strides = array<i32>} : memref<8x256xf32, #tpu.memory_space<vmem>>, vector<16xf32>,
      tpu.vector_store %arg6[%swap3A_181, %swap3A_182], %broadcast_in_dim3A_3 {strides = array<i32>} : memref<8x256xf32, #tpu.memory_space<vmem>>, vector<16xf32>,
      %mul3A_184 = arith.constant 16 : i32
      %mul3A_185 = arith.muli %scan3A_11, %mul3A_184 : i32
      %swap3A_186 = arith.constant 7 : i32
      %swap3A_187 = arith.index_cast %swap3A_186 : i32 to index
      %swap3A_188 = arith.index_cast %mul3A_185 : i32 to index
      %swap3A_189 = tpu.vector_load %arg6[%swap3A_187, %swap3A_188] {strides = array<i32>} : memref<8x256xf32, #tpu.memory_space<vmem>>, vector<16xf32>,
      tpu.vector_store %arg6[%swap3A_187, %swap3A_188], %broadcast_in_dim3A_3 {strides = array<i32>} : memref<8x256xf32, #tpu.memory_space<vmem>>, vector<16xf32>,
      tpu.vector_store_idx %arg6[%min3A_136, %add3A_142], %div3A_138 : memref<8x256xf32, #tpu.memory_space<vmem>>[vector<16xi32>, vector<16xi32>], vector<16xf32>,
    }
    %scan3A_8 = arith.constant 16 : i32
    %add3A_9 = arith.constant 8192 : i32
    %add3A_10 = arith.addi %add3A_9, %mul3A_2 : i32
    "tpu.region"() ({
      %run_scoped3A = tpu.sem_alloc : memref<!tpu.dma_semaphore, #tpu.memory_space<semaphore_mem>>
      %dma_start3A = arith.constant 0 : i32
      %dma_start3A_11 = tpu.memref_slice %arg3[%dma_start3A, %add3A_10] : memref<8x32768xf32, #tpu.memory_space<hbm>> -> memref<8x256xf32, #tpu.memory_space<hbm>>
      %dma_start3A_12 = arith.constant 0 : i32
      %dma_start3A_13 = tpu.memref_slice %arg3[%dma_start3A_12, %add3A_10] : memref<8x32768xf32, #tpu.memory_space<hbm>> -> memref<8x256xf32, #tpu.memory_space<hbm>>
      tpu.enqueue_dma source(%arg6 : memref<8x256xf32, #tpu.memory_space<vmem>>) target(%dma_start3A_13 : memref<8x256xf32, #tpu.memory_space<hbm>>) target_semaphore(%run_scoped3A : memref<!tpu.dma_semaphore, #tpu.memory_space<semaphore_mem>>)
      %dma_wait3A = arith.constant 0 : i32
      %dma_wait3A_14 = tpu.memref_slice %arg3[%dma_wait3A, %add3A_10] : memref<8x32768xf32, #tpu.memory_space<hbm>> -> memref<8x256xf32, #tpu.memory_space<hbm>>
      %dma_wait3A_15 = arith.constant 0 : i32
      %dma_wait3A_16 = tpu.memref_slice %arg3[%dma_wait3A_15, %add3A_10] : memref<8x32768xf32, #tpu.memory_space<hbm>> -> memref<8x256xf32, #tpu.memory_space<hbm>>
      tpu.wait_dma2 semaphore(%run_scoped3A : memref<!tpu.dma_semaphore, #tpu.memory_space<semaphore_mem>>) src(%arg6 : memref<8x256xf32, #tpu.memory_space<vmem>>) dst(%dma_wait3A_16 : memref<8x256xf32, #tpu.memory_space<hbm>>)
      tpu.yield
    }) : () -> ()
    return
  }
}

#map = affine_map<(d0, d1) -> (0, 0)>
module attributes {stable_mosaic.version = 14 : i64} {
  func.func @new_body(%arg0: i32, %arg1: i32, %arg2: memref<8x8192xf32, #tpu.memory_space<hbm>>, %arg3: memref<8x32768xf32, #tpu.memory_space<hbm>>, %arg4: memref<8x32768xf32, #tpu.memory_space<hbm>>, %arg5: memref<8x256xf32, #tpu.memory_space<vmem>>, %arg6: memref<8x256xf32, #tpu.memory_space<vmem>>) attributes {dimension_semantics = [#tpu.dimension_semantics<core_parallel>, #tpu.dimension_semantics<subcore_parallel>], iteration_bounds = array<i64: 2, 16>, scalar_prefetch = 0 : i64, scratch_operands = 2 : i64, tpu.core_type = #tpu.core_type<sc_vector_subcore>, window_params = [{transform_indices = #map}, {transform_indices = #map}, {transform_indices = #map}]} {
    %mul3A = arith.constant 2 : i32
    %mul3A_0 = arith.muli %arg1, %mul3A : i32
    %add3A = arith.addi %mul3A_0, %arg0 : i32
    %mul3A_1 = arith.constant 256 : i32
    %mul3A_2 = arith.muli %add3A, %mul3A_1 : i32
    "tpu.region"() ({
      %run_scoped3A = tpu.sem_alloc : memref<!tpu.dma_semaphore, #tpu.memory_space<semaphore_mem>>
      %dma_start3A = arith.constant 0 : i32
      %dma_start3A_11 = tpu.memref_slice %arg2[%dma_start3A, %mul3A_2] : memref<8x8192xf32, #tpu.memory_space<hbm>> -> memref<8x256xf32, #tpu.memory_space<hbm>>
      %dma_start3A_12 = arith.constant 0 : i32
      %dma_start3A_13 = tpu.memref_slice %arg2[%dma_start3A_12, %mul3A_2] : memref<8x8192xf32, #tpu.memory_space<hbm>> -> memref<8x256xf32, #tpu.memory_space<hbm>>
      tpu.enqueue_dma source(%dma_start3A_13 : memref<8x256xf32, #tpu.memory_space<hbm>>) target(%arg5 : memref<8x256xf32, #tpu.memory_space<vmem>>) target_semaphore(%run_scoped3A : memref<!tpu.dma_semaphore, #tpu.memory_space<semaphore_mem>>)
      %dma_wait3A = arith.constant 0 : i32
      %dma_wait3A_14 = tpu.memref_slice %arg2[%dma_wait3A, %mul3A_2] : memref<8x8192xf32, #tpu.memory_space<hbm>> -> memref<8x256xf32, #tpu.memory_space<hbm>>
      %dma_wait3A_15 = arith.constant 0 : i32
      %dma_wait3A_16 = tpu.memref_slice %arg2[%dma_wait3A_15, %mul3A_2] : memref<8x8192xf32, #tpu.memory_space<hbm>> -> memref<8x256xf32, #tpu.memory_space<hbm>>
      tpu.wait_dma2 semaphore(%run_scoped3A : memref<!tpu.dma_semaphore, #tpu.memory_space<semaphore_mem>>) src(%dma_wait3A_16 : memref<8x256xf32, #tpu.memory_space<hbm>>) dst(%arg5 : memref<8x256xf32, #tpu.memory_space<vmem>>)
      tpu.yield
    }) : () -> ()
    %iota3A = tpu.iota {dimensions = array<i32: 0>} : vector<16xi32>
    %broadcast_in_dim3A = arith.constant 0.000000e+00 : f32
    %broadcast_in_dim3A_3 = vector.broadcast %broadcast_in_dim3A : f32 to vector<16xf32>
    %scan3A = arith.constant 0 : i32
    %scan3A_4 = arith.constant 0 : i32
    %scan3A_5 = arith.constant 16 : i32
    %scan3A_6 = arith.addi %scan3A_4, %scan3A_5 : i32
    %scan3A_7 = arith.constant 1 : i32
    scf.for %scan3A_11 = %scan3A_4 to %scan3A_6 step %scan3A_7  : i32 {
      %mul3A_12 = arith.constant 16 : i32
      %mul3A_13 = arith.muli %scan3A_11, %mul3A_12 : i32
      %get3A = arith.constant 0 : i32
      %get3A_14 = arith.index_cast %get3A : i32 to index
      %get3A_15 = arith.index_cast %mul3A_13 : i32 to index
      %get3A_16 = tpu.vector_load %arg5[%get3A_14, %get3A_15] {strides = array<i32>} : memref<8x256xf32, #tpu.memory_space<vmem>>, vector<16xf32>,
      %mul3A_17 = arith.constant 16 : i32
      %mul3A_18 = arith.muli %scan3A_11, %mul3A_17 : i32
      %get3A_19 = arith.constant 1 : i32
      %get3A_20 = arith.index_cast %get3A_19 : i32 to index
      %get3A_21 = arith.index_cast %mul3A_18 : i32 to index
      %get3A_22 = tpu.vector_load %arg5[%get3A_20, %get3A_21] {strides = array<i32>} : memref<8x256xf32, #tpu.memory_space<vmem>>, vector<16xf32>,
      %mul3A_23 = arith.constant 16 : i32
      %mul3A_24 = arith.muli %scan3A_11, %mul3A_23 : i32
      %get3A_25 = arith.constant 2 : i32
      %get3A_26 = arith.index_cast %get3A_25 : i32 to index
      %get3A_27 = arith.index_cast %mul3A_24 : i32 to index
      %get3A_28 = tpu.vector_load %arg5[%get3A_26, %get3A_27] {strides = array<i32>} : memref<8x256xf32, #tpu.memory_space<vmem>>, vector<16xf32>,
      %mul3A_29 = arith.constant 16 : i32
      %mul3A_30 = arith.muli %scan3A_11, %mul3A_29 : i32
      %get3A_31 = arith.constant 3 : i32
      %get3A_32 = arith.index_cast %get3A_31 : i32 to index
      %get3A_33 = arith.index_cast %mul3A_30 : i32 to index
      %get3A_34 = tpu.vector_load %arg5[%get3A_32, %get3A_33] {strides = array<i32>} : memref<8x256xf32, #tpu.memory_space<vmem>>, vector<16xf32>,
      %mul3A_35 = arith.constant 16 : i32
      %mul3A_36 = arith.muli %scan3A_11, %mul3A_35 : i32
      %get3A_37 = arith.constant 4 : i32
      %get3A_38 = arith.index_cast %get3A_37 : i32 to index
      %get3A_39 = arith.index_cast %mul3A_36 : i32 to index
      %get3A_40 = tpu.vector_load %arg5[%get3A_38, %get3A_39] {strides = array<i32>} : memref<8x256xf32, #tpu.memory_space<vmem>>, vector<16xf32>,
      %mul3A_41 = arith.constant 16 : i32
      %mul3A_42 = arith.muli %scan3A_11, %mul3A_41 : i32
      %get3A_43 = arith.constant 5 : i32
      %get3A_44 = arith.index_cast %get3A_43 : i32 to index
      %get3A_45 = arith.index_cast %mul3A_42 : i32 to index
      %get3A_46 = tpu.vector_load %arg5[%get3A_44, %get3A_45] {strides = array<i32>} : memref<8x256xf32, #tpu.memory_space<vmem>>, vector<16xf32>,
      %mul3A_47 = arith.constant 16 : i32
      %mul3A_48 = arith.muli %scan3A_11, %mul3A_47 : i32
      %get3A_49 = arith.constant 6 : i32
      %get3A_50 = arith.index_cast %get3A_49 : i32 to index
      %get3A_51 = arith.index_cast %mul3A_48 : i32 to index
      %get3A_52 = tpu.vector_load %arg5[%get3A_50, %get3A_51] {strides = array<i32>} : memref<8x256xf32, #tpu.memory_space<vmem>>, vector<16xf32>,
      %mul3A_53 = arith.constant 16 : i32
      %mul3A_54 = arith.muli %scan3A_11, %mul3A_53 : i32
      %get3A_55 = arith.constant 7 : i32
      %get3A_56 = arith.index_cast %get3A_55 : i32 to index
      %get3A_57 = arith.index_cast %mul3A_54 : i32 to index
      %get3A_58 = tpu.vector_load %arg5[%get3A_56, %get3A_57] {strides = array<i32>} : memref<8x256xf32, #tpu.memory_space<vmem>>, vector<16xf32>,
      %max3A = arith.maximumf %get3A_16, %get3A_22 : vector<16xf32>
      %max3A_59 = arith.maximumf %max3A, %get3A_28 : vector<16xf32>
      %max3A_60 = arith.maximumf %max3A_59, %get3A_34 : vector<16xf32>
      %max3A_61 = arith.maximumf %max3A_60, %get3A_40 : vector<16xf32>
      %max3A_62 = arith.maximumf %max3A_61, %get3A_46 : vector<16xf32>
      %max3A_63 = arith.maximumf %max3A_62, %get3A_52 : vector<16xf32>
      %max3A_64 = arith.maximumf %max3A_63, %get3A_58 : vector<16xf32>
      %sub3A = arith.subf %get3A_16, %max3A_64 : vector<16xf32>
      %exp3A = math.exp %sub3A : vector<16xf32>
      %eq3A = arith.cmpf oeq, %get3A_16, %max3A_64 : vector<16xf32>
      %jit3A = arith.constant 0 : i32
      %jit3A_65 = arith.constant 8 : i32
      %broadcast_in_dim3A_66 = vector.broadcast %jit3A : i32 to vector<16xi32>
      %broadcast_in_dim3A_67 = vector.broadcast %jit3A_65 : i32 to vector<16xi32>
      %select_n3A = arith.select %eq3A, %broadcast_in_dim3A_66, %broadcast_in_dim3A_67 : vector<16xi1>, vector<16xi32>
      %sub3A_68 = arith.subf %get3A_22, %max3A_64 : vector<16xf32>
      %exp3A_69 = math.exp %sub3A_68 : vector<16xf32>
      %add3A_70 = arith.addf %exp3A, %exp3A_69 : vector<16xf32>
      %eq3A_71 = arith.cmpf oeq, %get3A_22, %max3A_64 : vector<16xf32>
      %jit3A_72 = arith.constant 1 : i32
      %jit3A_73 = arith.constant 8 : i32
      %broadcast_in_dim3A_74 = vector.broadcast %jit3A_72 : i32 to vector<16xi32>
      %broadcast_in_dim3A_75 = vector.broadcast %jit3A_73 : i32 to vector<16xi32>
      %select_n3A_76 = arith.select %eq3A_71, %broadcast_in_dim3A_74, %broadcast_in_dim3A_75 : vector<16xi1>, vector<16xi32>
      %min3A = arith.minsi %select_n3A, %select_n3A_76 : vector<16xi32>
      %sub3A_77 = arith.subf %get3A_28, %max3A_64 : vector<16xf32>
      %exp3A_78 = math.exp %sub3A_77 : vector<16xf32>
      %add3A_79 = arith.addf %add3A_70, %exp3A_78 : vector<16xf32>
      %eq3A_80 = arith.cmpf oeq, %get3A_28, %max3A_64 : vector<16xf32>
      %jit3A_81 = arith.constant 2 : i32
      %jit3A_82 = arith.constant 8 : i32
      %broadcast_in_dim3A_83 = vector.broadcast %jit3A_81 : i32 to vector<16xi32>
      %broadcast_in_dim3A_84 = vector.broadcast %jit3A_82 : i32 to vector<16xi32>
      %select_n3A_85 = arith.select %eq3A_80, %broadcast_in_dim3A_83, %broadcast_in_dim3A_84 : vector<16xi1>, vector<16xi32>
      %min3A_86 = arith.minsi %min3A, %select_n3A_85 : vector<16xi32>
      %sub3A_87 = arith.subf %get3A_34, %max3A_64 : vector<16xf32>
      %exp3A_88 = math.exp %sub3A_87 : vector<16xf32>
      %add3A_89 = arith.addf %add3A_79, %exp3A_88 : vector<16xf32>
      %eq3A_90 = arith.cmpf oeq, %get3A_34, %max3A_64 : vector<16xf32>
      %jit3A_91 = arith.constant 3 : i32
      %jit3A_92 = arith.constant 8 : i32
      %broadcast_in_dim3A_93 = vector.broadcast %jit3A_91 : i32 to vector<16xi32>
      %broadcast_in_dim3A_94 = vector.broadcast %jit3A_92 : i32 to vector<16xi32>
      %select_n3A_95 = arith.select %eq3A_90, %broadcast_in_dim3A_93, %broadcast_in_dim3A_94 : vector<16xi1>, vector<16xi32>
      %min3A_96 = arith.minsi %min3A_86, %select_n3A_95 : vector<16xi32>
      %sub3A_97 = arith.subf %get3A_40, %max3A_64 : vector<16xf32>
      %exp3A_98 = math.exp %sub3A_97 : vector<16xf32>
      %add3A_99 = arith.addf %add3A_89, %exp3A_98 : vector<16xf32>
      %eq3A_100 = arith.cmpf oeq, %get3A_40, %max3A_64 : vector<16xf32>
      %jit3A_101 = arith.constant 4 : i32
      %jit3A_102 = arith.constant 8 : i32
      %broadcast_in_dim3A_103 = vector.broadcast %jit3A_101 : i32 to vector<16xi32>
      %broadcast_in_dim3A_104 = vector.broadcast %jit3A_102 : i32 to vector<16xi32>
      %select_n3A_105 = arith.select %eq3A_100, %broadcast_in_dim3A_103, %broadcast_in_dim3A_104 : vector<16xi1>, vector<16xi32>
      %min3A_106 = arith.minsi %min3A_96, %select_n3A_105 : vector<16xi32>
      %sub3A_107 = arith.subf %get3A_46, %max3A_64 : vector<16xf32>
      %exp3A_108 = math.exp %sub3A_107 : vector<16xf32>
      %add3A_109 = arith.addf %add3A_99, %exp3A_108 : vector<16xf32>
      %eq3A_110 = arith.cmpf oeq, %get3A_46, %max3A_64 : vector<16xf32>
      %jit3A_111 = arith.constant 5 : i32
      %jit3A_112 = arith.constant 8 : i32
      %broadcast_in_dim3A_113 = vector.broadcast %jit3A_111 : i32 to vector<16xi32>
      %broadcast_in_dim3A_114 = vector.broadcast %jit3A_112 : i32 to vector<16xi32>
      %select_n3A_115 = arith.select %eq3A_110, %broadcast_in_dim3A_113, %broadcast_in_dim3A_114 : vector<16xi1>, vector<16xi32>
      %min3A_116 = arith.minsi %min3A_106, %select_n3A_115 : vector<16xi32>
      %sub3A_117 = arith.subf %get3A_52, %max3A_64 : vector<16xf32>
      %exp3A_118 = math.exp %sub3A_117 : vector<16xf32>
      %add3A_119 = arith.addf %add3A_109, %exp3A_118 : vector<16xf32>
      %eq3A_120 = arith.cmpf oeq, %get3A_52, %max3A_64 : vector<16xf32>
      %jit3A_121 = arith.constant 6 : i32
      %jit3A_122 = arith.constant 8 : i32
      %broadcast_in_dim3A_123 = vector.broadcast %jit3A_121 : i32 to vector<16xi32>
      %broadcast_in_dim3A_124 = vector.broadcast %jit3A_122 : i32 to vector<16xi32>
      %select_n3A_125 = arith.select %eq3A_120, %broadcast_in_dim3A_123, %broadcast_in_dim3A_124 : vector<16xi1>, vector<16xi32>
      %min3A_126 = arith.minsi %min3A_116, %select_n3A_125 : vector<16xi32>
      %sub3A_127 = arith.subf %get3A_58, %max3A_64 : vector<16xf32>
      %exp3A_128 = math.exp %sub3A_127 : vector<16xf32>
      %add3A_129 = arith.addf %add3A_119, %exp3A_128 : vector<16xf32>
      %eq3A_130 = arith.cmpf oeq, %get3A_58, %max3A_64 : vector<16xf32>
      %jit3A_131 = arith.constant 7 : i32
      %jit3A_132 = arith.constant 8 : i32
      %broadcast_in_dim3A_133 = vector.broadcast %jit3A_131 : i32 to vector<16xi32>
      %broadcast_in_dim3A_134 = vector.broadcast %jit3A_132 : i32 to vector<16xi32>
      %select_n3A_135 = arith.select %eq3A_130, %broadcast_in_dim3A_133, %broadcast_in_dim3A_134 : vector<16xi1>, vector<16xi32>
      %min3A_136 = arith.minsi %min3A_126, %select_n3A_135 : vector<16xi32>
      %div3A = arith.constant 1.000000e+00 : f32
      %div3A_137 = vector.broadcast %div3A : f32 to vector<16xf32>
      %div3A_138 = arith.divf %div3A_137, %add3A_129 : vector<16xf32>
      %mul3A_139 = arith.constant 16 : i32
      %mul3A_140 = arith.muli %scan3A_11, %mul3A_139 : i32
      %add3A_141 = vector.broadcast %mul3A_140 : i32 to vector<16xi32>
      %add3A_142 = arith.addi %add3A_141, %iota3A : vector<16xi32>
      %mul3A_143 = arith.constant 16 : i32
      %mul3A_144 = arith.muli %scan3A_11, %mul3A_143 : i32
      %swap3A = arith.constant 0 : i32
      %swap3A_145 = arith.index_cast %swap3A : i32 to index
      %swap3A_146 = arith.index_cast %mul3A_144 : i32 to index
      %swap3A_147 = tpu.vector_load %arg6[%swap3A_145, %swap3A_146] {strides = array<i32>} : memref<8x256xf32, #tpu.memory_space<vmem>>, vector<16xf32>,
      tpu.vector_store %arg6[%swap3A_145, %swap3A_146], %broadcast_in_dim3A_3 {strides = array<i32>} : memref<8x256xf32, #tpu.memory_space<vmem>>, vector<16xf32>,
      %mul3A_148 = arith.constant 16 : i32
      %mul3A_149 = arith.muli %scan3A_11, %mul3A_148 : i32
      %swap3A_150 = arith.constant 1 : i32
      %swap3A_151 = arith.index_cast %swap3A_150 : i32 to index
      %swap3A_152 = arith.index_cast %mul3A_149 : i32 to index
      %swap3A_153 = tpu.vector_load %arg6[%swap3A_151, %swap3A_152] {strides = array<i32>} : memref<8x256xf32, #tpu.memory_space<vmem>>, vector<16xf32>,
      tpu.vector_store %arg6[%swap3A_151, %swap3A_152], %broadcast_in_dim3A_3 {strides = array<i32>} : memref<8x256xf32, #tpu.memory_space<vmem>>, vector<16xf32>,
      %mul3A_154 = arith.constant 16 : i32
      %mul3A_155 = arith.muli %scan3A_11, %mul3A_154 : i32
      %swap3A_156 = arith.constant 2 : i32
      %swap3A_157 = arith.index_cast %swap3A_156 : i32 to index
      %swap3A_158 = arith.index_cast %mul3A_155 : i32 to index
      %swap3A_159 = tpu.vector_load %arg6[%swap3A_157, %swap3A_158] {strides = array<i32>} : memref<8x256xf32, #tpu.memory_space<vmem>>, vector<16xf32>,
      tpu.vector_store %arg6[%swap3A_157, %swap3A_158], %broadcast_in_dim3A_3 {strides = array<i32>} : memref<8x256xf32, #tpu.memory_space<vmem>>, vector<16xf32>,
      %mul3A_160 = arith.constant 16 : i32
      %mul3A_161 = arith.muli %scan3A_11, %mul3A_160 : i32
      %swap3A_162 = arith.constant 3 : i32
      %swap3A_163 = arith.index_cast %swap3A_162 : i32 to index
      %swap3A_164 = arith.index_cast %mul3A_161 : i32 to index
      %swap3A_165 = tpu.vector_load %arg6[%swap3A_163, %swap3A_164] {strides = array<i32>} : memref<8x256xf32, #tpu.memory_space<vmem>>, vector<16xf32>,
      tpu.vector_store %arg6[%swap3A_163, %swap3A_164], %broadcast_in_dim3A_3 {strides = array<i32>} : memref<8x256xf32, #tpu.memory_space<vmem>>, vector<16xf32>,
      %mul3A_166 = arith.constant 16 : i32
      %mul3A_167 = arith.muli %scan3A_11, %mul3A_166 : i32
      %swap3A_168 = arith.constant 4 : i32
      %swap3A_169 = arith.index_cast %swap3A_168 : i32 to index
      %swap3A_170 = arith.index_cast %mul3A_167 : i32 to index
      %swap3A_171 = tpu.vector_load %arg6[%swap3A_169, %swap3A_170] {strides = array<i32>} : memref<8x256xf32, #tpu.memory_space<vmem>>, vector<16xf32>,
      tpu.vector_store %arg6[%swap3A_169, %swap3A_170], %broadcast_in_dim3A_3 {strides = array<i32>} : memref<8x256xf32, #tpu.memory_space<vmem>>, vector<16xf32>,
      %mul3A_172 = arith.constant 16 : i32
      %mul3A_173 = arith.muli %scan3A_11, %mul3A_172 : i32
      %swap3A_174 = arith.constant 5 : i32
      %swap3A_175 = arith.index_cast %swap3A_174 : i32 to index
      %swap3A_176 = arith.index_cast %mul3A_173 : i32 to index
      %swap3A_177 = tpu.vector_load %arg6[%swap3A_175, %swap3A_176] {strides = array<i32>} : memref<8x256xf32, #tpu.memory_space<vmem>>, vector<16xf32>,
      tpu.vector_store %arg6[%swap3A_175, %swap3A_176], %broadcast_in_dim3A_3 {strides = array<i32>} : memref<8x256xf32, #tpu.memory_space<vmem>>, vector<16xf32>,
      %mul3A_178 = arith.constant 16 : i32
      %mul3A_179 = arith.muli %scan3A_11, %mul3A_178 : i32
      %swap3A_180 = arith.constant 6 : i32
      %swap3A_181 = arith.index_cast %swap3A_180 : i32 to index
      %swap3A_182 = arith.index_cast %mul3A_179 : i32 to index
      %swap3A_183 = tpu.vector_load %arg6[%swap3A_181, %swap3A_182] {strides = array<i32>} : memref<8x256xf32, #tpu.memory_space<vmem>>, vector<16xf32>,
      tpu.vector_store %arg6[%swap3A_181, %swap3A_182], %broadcast_in_dim3A_3 {strides = array<i32>} : memref<8x256xf32, #tpu.memory_space<vmem>>, vector<16xf32>,
      %mul3A_184 = arith.constant 16 : i32
      %mul3A_185 = arith.muli %scan3A_11, %mul3A_184 : i32
      %swap3A_186 = arith.constant 7 : i32
      %swap3A_187 = arith.index_cast %swap3A_186 : i32 to index
      %swap3A_188 = arith.index_cast %mul3A_185 : i32 to index
      %swap3A_189 = tpu.vector_load %arg6[%swap3A_187, %swap3A_188] {strides = array<i32>} : memref<8x256xf32, #tpu.memory_space<vmem>>, vector<16xf32>,
      tpu.vector_store %arg6[%swap3A_187, %swap3A_188], %broadcast_in_dim3A_3 {strides = array<i32>} : memref<8x256xf32, #tpu.memory_space<vmem>>, vector<16xf32>,
      tpu.vector_store_idx %arg6[%min3A_136, %add3A_142], %div3A_138 : memref<8x256xf32, #tpu.memory_space<vmem>>[vector<16xi32>, vector<16xi32>], vector<16xf32>,
    }
    %scan3A_8 = arith.constant 16 : i32
    %add3A_9 = arith.constant 0 : i32
    %add3A_10 = arith.addi %add3A_9, %mul3A_2 : i32
    "tpu.region"() ({
      %run_scoped3A = tpu.sem_alloc : memref<!tpu.dma_semaphore, #tpu.memory_space<semaphore_mem>>
      %dma_start3A = arith.constant 0 : i32
      %dma_start3A_11 = tpu.memref_slice %arg3[%dma_start3A, %add3A_10] : memref<8x32768xf32, #tpu.memory_space<hbm>> -> memref<8x256xf32, #tpu.memory_space<hbm>>
      %dma_start3A_12 = arith.constant 0 : i32
      %dma_start3A_13 = tpu.memref_slice %arg3[%dma_start3A_12, %add3A_10] : memref<8x32768xf32, #tpu.memory_space<hbm>> -> memref<8x256xf32, #tpu.memory_space<hbm>>
      tpu.enqueue_dma source(%arg6 : memref<8x256xf32, #tpu.memory_space<vmem>>) target(%dma_start3A_13 : memref<8x256xf32, #tpu.memory_space<hbm>>) target_semaphore(%run_scoped3A : memref<!tpu.dma_semaphore, #tpu.memory_space<semaphore_mem>>)
      %dma_wait3A = arith.constant 0 : i32
      %dma_wait3A_14 = tpu.memref_slice %arg3[%dma_wait3A, %add3A_10] : memref<8x32768xf32, #tpu.memory_space<hbm>> -> memref<8x256xf32, #tpu.memory_space<hbm>>
      %dma_wait3A_15 = arith.constant 0 : i32
      %dma_wait3A_16 = tpu.memref_slice %arg3[%dma_wait3A_15, %add3A_10] : memref<8x32768xf32, #tpu.memory_space<hbm>> -> memref<8x256xf32, #tpu.memory_space<hbm>>
      tpu.wait_dma2 semaphore(%run_scoped3A : memref<!tpu.dma_semaphore, #tpu.memory_space<semaphore_mem>>) src(%arg6 : memref<8x256xf32, #tpu.memory_space<vmem>>) dst(%dma_wait3A_16 : memref<8x256xf32, #tpu.memory_space<hbm>>)
      tpu.yield
    }) : () -> ()
    return
  }
}

#map = affine_map<(d0, d1) -> (0, 0)>
module attributes {stable_mosaic.version = 14 : i64} {
  func.func @new_body(%arg0: i32, %arg1: i32, %arg2: memref<8x8192xf32, #tpu.memory_space<hbm>>, %arg3: memref<8x32768xf32, #tpu.memory_space<hbm>>, %arg4: memref<8x32768xf32, #tpu.memory_space<hbm>>, %arg5: memref<8x256xf32, #tpu.memory_space<vmem>>, %arg6: memref<8x256xf32, #tpu.memory_space<vmem>>) attributes {dimension_semantics = [#tpu.dimension_semantics<core_parallel>, #tpu.dimension_semantics<subcore_parallel>], iteration_bounds = array<i64: 2, 16>, scalar_prefetch = 0 : i64, scratch_operands = 2 : i64, tpu.core_type = #tpu.core_type<sc_vector_subcore>, window_params = [{transform_indices = #map}, {transform_indices = #map}, {transform_indices = #map}]} {
    %mul3A = arith.constant 2 : i32
    %mul3A_0 = arith.muli %arg1, %mul3A : i32
    %add3A = arith.addi %mul3A_0, %arg0 : i32
    %mul3A_1 = arith.constant 256 : i32
    %mul3A_2 = arith.muli %add3A, %mul3A_1 : i32
    "tpu.region"() ({
      %run_scoped3A = tpu.sem_alloc : memref<!tpu.dma_semaphore, #tpu.memory_space<semaphore_mem>>
      %dma_start3A = arith.constant 0 : i32
      %dma_start3A_11 = tpu.memref_slice %arg2[%dma_start3A, %mul3A_2] : memref<8x8192xf32, #tpu.memory_space<hbm>> -> memref<8x256xf32, #tpu.memory_space<hbm>>
      %dma_start3A_12 = arith.constant 0 : i32
      %dma_start3A_13 = tpu.memref_slice %arg2[%dma_start3A_12, %mul3A_2] : memref<8x8192xf32, #tpu.memory_space<hbm>> -> memref<8x256xf32, #tpu.memory_space<hbm>>
      tpu.enqueue_dma source(%dma_start3A_13 : memref<8x256xf32, #tpu.memory_space<hbm>>) target(%arg5 : memref<8x256xf32, #tpu.memory_space<vmem>>) target_semaphore(%run_scoped3A : memref<!tpu.dma_semaphore, #tpu.memory_space<semaphore_mem>>)
      %dma_wait3A = arith.constant 0 : i32
      %dma_wait3A_14 = tpu.memref_slice %arg2[%dma_wait3A, %mul3A_2] : memref<8x8192xf32, #tpu.memory_space<hbm>> -> memref<8x256xf32, #tpu.memory_space<hbm>>
      %dma_wait3A_15 = arith.constant 0 : i32
      %dma_wait3A_16 = tpu.memref_slice %arg2[%dma_wait3A_15, %mul3A_2] : memref<8x8192xf32, #tpu.memory_space<hbm>> -> memref<8x256xf32, #tpu.memory_space<hbm>>
      tpu.wait_dma2 semaphore(%run_scoped3A : memref<!tpu.dma_semaphore, #tpu.memory_space<semaphore_mem>>) src(%dma_wait3A_16 : memref<8x256xf32, #tpu.memory_space<hbm>>) dst(%arg5 : memref<8x256xf32, #tpu.memory_space<vmem>>)
      tpu.yield
    }) : () -> ()
    %iota3A = tpu.iota {dimensions = array<i32: 0>} : vector<16xi32>
    %broadcast_in_dim3A = arith.constant 0.000000e+00 : f32
    %broadcast_in_dim3A_3 = vector.broadcast %broadcast_in_dim3A : f32 to vector<16xf32>
    %scan3A = arith.constant 0 : i32
    %scan3A_4 = arith.constant 0 : i32
    %scan3A_5 = arith.constant 16 : i32
    %scan3A_6 = arith.addi %scan3A_4, %scan3A_5 : i32
    %scan3A_7 = arith.constant 1 : i32
    scf.for %scan3A_11 = %scan3A_4 to %scan3A_6 step %scan3A_7  : i32 {
      %mul3A_12 = arith.constant 16 : i32
      %mul3A_13 = arith.muli %scan3A_11, %mul3A_12 : i32
      %get3A = arith.constant 0 : i32
      %get3A_14 = arith.index_cast %get3A : i32 to index
      %get3A_15 = arith.index_cast %mul3A_13 : i32 to index
      %get3A_16 = tpu.vector_load %arg5[%get3A_14, %get3A_15] {strides = array<i32>} : memref<8x256xf32, #tpu.memory_space<vmem>>, vector<16xf32>,
      %mul3A_17 = arith.constant 16 : i32
      %mul3A_18 = arith.muli %scan3A_11, %mul3A_17 : i32
      %get3A_19 = arith.constant 1 : i32
      %get3A_20 = arith.index_cast %get3A_19 : i32 to index
      %get3A_21 = arith.index_cast %mul3A_18 : i32 to index
      %get3A_22 = tpu.vector_load %arg5[%get3A_20, %get3A_21] {strides = array<i32>} : memref<8x256xf32, #tpu.memory_space<vmem>>, vector<16xf32>,
      %mul3A_23 = arith.constant 16 : i32
      %mul3A_24 = arith.muli %scan3A_11, %mul3A_23 : i32
      %get3A_25 = arith.constant 2 : i32
      %get3A_26 = arith.index_cast %get3A_25 : i32 to index
      %get3A_27 = arith.index_cast %mul3A_24 : i32 to index
      %get3A_28 = tpu.vector_load %arg5[%get3A_26, %get3A_27] {strides = array<i32>} : memref<8x256xf32, #tpu.memory_space<vmem>>, vector<16xf32>,
      %mul3A_29 = arith.constant 16 : i32
      %mul3A_30 = arith.muli %scan3A_11, %mul3A_29 : i32
      %get3A_31 = arith.constant 3 : i32
      %get3A_32 = arith.index_cast %get3A_31 : i32 to index
      %get3A_33 = arith.index_cast %mul3A_30 : i32 to index
      %get3A_34 = tpu.vector_load %arg5[%get3A_32, %get3A_33] {strides = array<i32>} : memref<8x256xf32, #tpu.memory_space<vmem>>, vector<16xf32>,
      %mul3A_35 = arith.constant 16 : i32
      %mul3A_36 = arith.muli %scan3A_11, %mul3A_35 : i32
      %get3A_37 = arith.constant 4 : i32
      %get3A_38 = arith.index_cast %get3A_37 : i32 to index
      %get3A_39 = arith.index_cast %mul3A_36 : i32 to index
      %get3A_40 = tpu.vector_load %arg5[%get3A_38, %get3A_39] {strides = array<i32>} : memref<8x256xf32, #tpu.memory_space<vmem>>, vector<16xf32>,
      %mul3A_41 = arith.constant 16 : i32
      %mul3A_42 = arith.muli %scan3A_11, %mul3A_41 : i32
      %get3A_43 = arith.constant 5 : i32
      %get3A_44 = arith.index_cast %get3A_43 : i32 to index
      %get3A_45 = arith.index_cast %mul3A_42 : i32 to index
      %get3A_46 = tpu.vector_load %arg5[%get3A_44, %get3A_45] {strides = array<i32>} : memref<8x256xf32, #tpu.memory_space<vmem>>, vector<16xf32>,
      %mul3A_47 = arith.constant 16 : i32
      %mul3A_48 = arith.muli %scan3A_11, %mul3A_47 : i32
      %get3A_49 = arith.constant 6 : i32
      %get3A_50 = arith.index_cast %get3A_49 : i32 to index
      %get3A_51 = arith.index_cast %mul3A_48 : i32 to index
      %get3A_52 = tpu.vector_load %arg5[%get3A_50, %get3A_51] {strides = array<i32>} : memref<8x256xf32, #tpu.memory_space<vmem>>, vector<16xf32>,
      %mul3A_53 = arith.constant 16 : i32
      %mul3A_54 = arith.muli %scan3A_11, %mul3A_53 : i32
      %get3A_55 = arith.constant 7 : i32
      %get3A_56 = arith.index_cast %get3A_55 : i32 to index
      %get3A_57 = arith.index_cast %mul3A_54 : i32 to index
      %get3A_58 = tpu.vector_load %arg5[%get3A_56, %get3A_57] {strides = array<i32>} : memref<8x256xf32, #tpu.memory_space<vmem>>, vector<16xf32>,
      %max3A = arith.maximumf %get3A_16, %get3A_22 : vector<16xf32>
      %max3A_59 = arith.maximumf %max3A, %get3A_28 : vector<16xf32>
      %max3A_60 = arith.maximumf %max3A_59, %get3A_34 : vector<16xf32>
      %max3A_61 = arith.maximumf %max3A_60, %get3A_40 : vector<16xf32>
      %max3A_62 = arith.maximumf %max3A_61, %get3A_46 : vector<16xf32>
      %max3A_63 = arith.maximumf %max3A_62, %get3A_52 : vector<16xf32>
      %max3A_64 = arith.maximumf %max3A_63, %get3A_58 : vector<16xf32>
      %sub3A = arith.subf %get3A_16, %max3A_64 : vector<16xf32>
      %exp3A = math.exp %sub3A : vector<16xf32>
      %eq3A = arith.cmpf oeq, %get3A_16, %max3A_64 : vector<16xf32>
      %jit3A = arith.constant 0 : i32
      %jit3A_65 = arith.constant 8 : i32
      %broadcast_in_dim3A_66 = vector.broadcast %jit3A : i32 to vector<16xi32>
      %broadcast_in_dim3A_67 = vector.broadcast %jit3A_65 : i32 to vector<16xi32>
      %select_n3A = arith.select %eq3A, %broadcast_in_dim3A_66, %broadcast_in_dim3A_67 : vector<16xi1>, vector<16xi32>
      %sub3A_68 = arith.subf %get3A_22, %max3A_64 : vector<16xf32>
      %exp3A_69 = math.exp %sub3A_68 : vector<16xf32>
      %add3A_70 = arith.addf %exp3A, %exp3A_69 : vector<16xf32>
      %eq3A_71 = arith.cmpf oeq, %get3A_22, %max3A_64 : vector<16xf32>
      %jit3A_72 = arith.constant 1 : i32
      %jit3A_73 = arith.constant 8 : i32
      %broadcast_in_dim3A_74 = vector.broadcast %jit3A_72 : i32 to vector<16xi32>
      %broadcast_in_dim3A_75 = vector.broadcast %jit3A_73 : i32 to vector<16xi32>
      %select_n3A_76 = arith.select %eq3A_71, %broadcast_in_dim3A_74, %broadcast_in_dim3A_75 : vector<16xi1>, vector<16xi32>
      %min3A = arith.minsi %select_n3A, %select_n3A_76 : vector<16xi32>
      %sub3A_77 = arith.subf %get3A_28, %max3A_64 : vector<16xf32>
      %exp3A_78 = math.exp %sub3A_77 : vector<16xf32>
      %add3A_79 = arith.addf %add3A_70, %exp3A_78 : vector<16xf32>
      %eq3A_80 = arith.cmpf oeq, %get3A_28, %max3A_64 : vector<16xf32>
      %jit3A_81 = arith.constant 2 : i32
      %jit3A_82 = arith.constant 8 : i32
      %broadcast_in_dim3A_83 = vector.broadcast %jit3A_81 : i32 to vector<16xi32>
      %broadcast_in_dim3A_84 = vector.broadcast %jit3A_82 : i32 to vector<16xi32>
      %select_n3A_85 = arith.select %eq3A_80, %broadcast_in_dim3A_83, %broadcast_in_dim3A_84 : vector<16xi1>, vector<16xi32>
      %min3A_86 = arith.minsi %min3A, %select_n3A_85 : vector<16xi32>
      %sub3A_87 = arith.subf %get3A_34, %max3A_64 : vector<16xf32>
      %exp3A_88 = math.exp %sub3A_87 : vector<16xf32>
      %add3A_89 = arith.addf %add3A_79, %exp3A_88 : vector<16xf32>
      %eq3A_90 = arith.cmpf oeq, %get3A_34, %max3A_64 : vector<16xf32>
      %jit3A_91 = arith.constant 3 : i32
      %jit3A_92 = arith.constant 8 : i32
      %broadcast_in_dim3A_93 = vector.broadcast %jit3A_91 : i32 to vector<16xi32>
      %broadcast_in_dim3A_94 = vector.broadcast %jit3A_92 : i32 to vector<16xi32>
      %select_n3A_95 = arith.select %eq3A_90, %broadcast_in_dim3A_93, %broadcast_in_dim3A_94 : vector<16xi1>, vector<16xi32>
      %min3A_96 = arith.minsi %min3A_86, %select_n3A_95 : vector<16xi32>
      %sub3A_97 = arith.subf %get3A_40, %max3A_64 : vector<16xf32>
      %exp3A_98 = math.exp %sub3A_97 : vector<16xf32>
      %add3A_99 = arith.addf %add3A_89, %exp3A_98 : vector<16xf32>
      %eq3A_100 = arith.cmpf oeq, %get3A_40, %max3A_64 : vector<16xf32>
      %jit3A_101 = arith.constant 4 : i32
      %jit3A_102 = arith.constant 8 : i32
      %broadcast_in_dim3A_103 = vector.broadcast %jit3A_101 : i32 to vector<16xi32>
      %broadcast_in_dim3A_104 = vector.broadcast %jit3A_102 : i32 to vector<16xi32>
      %select_n3A_105 = arith.select %eq3A_100, %broadcast_in_dim3A_103, %broadcast_in_dim3A_104 : vector<16xi1>, vector<16xi32>
      %min3A_106 = arith.minsi %min3A_96, %select_n3A_105 : vector<16xi32>
      %sub3A_107 = arith.subf %get3A_46, %max3A_64 : vector<16xf32>
      %exp3A_108 = math.exp %sub3A_107 : vector<16xf32>
      %add3A_109 = arith.addf %add3A_99, %exp3A_108 : vector<16xf32>
      %eq3A_110 = arith.cmpf oeq, %get3A_46, %max3A_64 : vector<16xf32>
      %jit3A_111 = arith.constant 5 : i32
      %jit3A_112 = arith.constant 8 : i32
      %broadcast_in_dim3A_113 = vector.broadcast %jit3A_111 : i32 to vector<16xi32>
      %broadcast_in_dim3A_114 = vector.broadcast %jit3A_112 : i32 to vector<16xi32>
      %select_n3A_115 = arith.select %eq3A_110, %broadcast_in_dim3A_113, %broadcast_in_dim3A_114 : vector<16xi1>, vector<16xi32>
      %min3A_116 = arith.minsi %min3A_106, %select_n3A_115 : vector<16xi32>
      %sub3A_117 = arith.subf %get3A_52, %max3A_64 : vector<16xf32>
      %exp3A_118 = math.exp %sub3A_117 : vector<16xf32>
      %add3A_119 = arith.addf %add3A_109, %exp3A_118 : vector<16xf32>
      %eq3A_120 = arith.cmpf oeq, %get3A_52, %max3A_64 : vector<16xf32>
      %jit3A_121 = arith.constant 6 : i32
      %jit3A_122 = arith.constant 8 : i32
      %broadcast_in_dim3A_123 = vector.broadcast %jit3A_121 : i32 to vector<16xi32>
      %broadcast_in_dim3A_124 = vector.broadcast %jit3A_122 : i32 to vector<16xi32>
      %select_n3A_125 = arith.select %eq3A_120, %broadcast_in_dim3A_123, %broadcast_in_dim3A_124 : vector<16xi1>, vector<16xi32>
      %min3A_126 = arith.minsi %min3A_116, %select_n3A_125 : vector<16xi32>
      %sub3A_127 = arith.subf %get3A_58, %max3A_64 : vector<16xf32>
      %exp3A_128 = math.exp %sub3A_127 : vector<16xf32>
      %add3A_129 = arith.addf %add3A_119, %exp3A_128 : vector<16xf32>
      %eq3A_130 = arith.cmpf oeq, %get3A_58, %max3A_64 : vector<16xf32>
      %jit3A_131 = arith.constant 7 : i32
      %jit3A_132 = arith.constant 8 : i32
      %broadcast_in_dim3A_133 = vector.broadcast %jit3A_131 : i32 to vector<16xi32>
      %broadcast_in_dim3A_134 = vector.broadcast %jit3A_132 : i32 to vector<16xi32>
      %select_n3A_135 = arith.select %eq3A_130, %broadcast_in_dim3A_133, %broadcast_in_dim3A_134 : vector<16xi1>, vector<16xi32>
      %min3A_136 = arith.minsi %min3A_126, %select_n3A_135 : vector<16xi32>
      %div3A = arith.constant 1.000000e+00 : f32
      %div3A_137 = vector.broadcast %div3A : f32 to vector<16xf32>
      %div3A_138 = arith.divf %div3A_137, %add3A_129 : vector<16xf32>
      %mul3A_139 = arith.constant 16 : i32
      %mul3A_140 = arith.muli %scan3A_11, %mul3A_139 : i32
      %add3A_141 = vector.broadcast %mul3A_140 : i32 to vector<16xi32>
      %add3A_142 = arith.addi %add3A_141, %iota3A : vector<16xi32>
      %mul3A_143 = arith.constant 16 : i32
      %mul3A_144 = arith.muli %scan3A_11, %mul3A_143 : i32
      %swap3A = arith.constant 0 : i32
      %swap3A_145 = arith.index_cast %swap3A : i32 to index
      %swap3A_146 = arith.index_cast %mul3A_144 : i32 to index
      %swap3A_147 = tpu.vector_load %arg6[%swap3A_145, %swap3A_146] {strides = array<i32>} : memref<8x256xf32, #tpu.memory_space<vmem>>, vector<16xf32>,
      tpu.vector_store %arg6[%swap3A_145, %swap3A_146], %broadcast_in_dim3A_3 {strides = array<i32>} : memref<8x256xf32, #tpu.memory_space<vmem>>, vector<16xf32>,
      %mul3A_148 = arith.constant 16 : i32
      %mul3A_149 = arith.muli %scan3A_11, %mul3A_148 : i32
      %swap3A_150 = arith.constant 1 : i32
      %swap3A_151 = arith.index_cast %swap3A_150 : i32 to index
      %swap3A_152 = arith.index_cast %mul3A_149 : i32 to index
      %swap3A_153 = tpu.vector_load %arg6[%swap3A_151, %swap3A_152] {strides = array<i32>} : memref<8x256xf32, #tpu.memory_space<vmem>>, vector<16xf32>,
      tpu.vector_store %arg6[%swap3A_151, %swap3A_152], %broadcast_in_dim3A_3 {strides = array<i32>} : memref<8x256xf32, #tpu.memory_space<vmem>>, vector<16xf32>,
      %mul3A_154 = arith.constant 16 : i32
      %mul3A_155 = arith.muli %scan3A_11, %mul3A_154 : i32
      %swap3A_156 = arith.constant 2 : i32
      %swap3A_157 = arith.index_cast %swap3A_156 : i32 to index
      %swap3A_158 = arith.index_cast %mul3A_155 : i32 to index
      %swap3A_159 = tpu.vector_load %arg6[%swap3A_157, %swap3A_158] {strides = array<i32>} : memref<8x256xf32, #tpu.memory_space<vmem>>, vector<16xf32>,
      tpu.vector_store %arg6[%swap3A_157, %swap3A_158], %broadcast_in_dim3A_3 {strides = array<i32>} : memref<8x256xf32, #tpu.memory_space<vmem>>, vector<16xf32>,
      %mul3A_160 = arith.constant 16 : i32
      %mul3A_161 = arith.muli %scan3A_11, %mul3A_160 : i32
      %swap3A_162 = arith.constant 3 : i32
      %swap3A_163 = arith.index_cast %swap3A_162 : i32 to index
      %swap3A_164 = arith.index_cast %mul3A_161 : i32 to index
      %swap3A_165 = tpu.vector_load %arg6[%swap3A_163, %swap3A_164] {strides = array<i32>} : memref<8x256xf32, #tpu.memory_space<vmem>>, vector<16xf32>,
      tpu.vector_store %arg6[%swap3A_163, %swap3A_164], %broadcast_in_dim3A_3 {strides = array<i32>} : memref<8x256xf32, #tpu.memory_space<vmem>>, vector<16xf32>,
      %mul3A_166 = arith.constant 16 : i32
      %mul3A_167 = arith.muli %scan3A_11, %mul3A_166 : i32
      %swap3A_168 = arith.constant 4 : i32
      %swap3A_169 = arith.index_cast %swap3A_168 : i32 to index
      %swap3A_170 = arith.index_cast %mul3A_167 : i32 to index
      %swap3A_171 = tpu.vector_load %arg6[%swap3A_169, %swap3A_170] {strides = array<i32>} : memref<8x256xf32, #tpu.memory_space<vmem>>, vector<16xf32>,
      tpu.vector_store %arg6[%swap3A_169, %swap3A_170], %broadcast_in_dim3A_3 {strides = array<i32>} : memref<8x256xf32, #tpu.memory_space<vmem>>, vector<16xf32>,
      %mul3A_172 = arith.constant 16 : i32
      %mul3A_173 = arith.muli %scan3A_11, %mul3A_172 : i32
      %swap3A_174 = arith.constant 5 : i32
      %swap3A_175 = arith.index_cast %swap3A_174 : i32 to index
      %swap3A_176 = arith.index_cast %mul3A_173 : i32 to index
      %swap3A_177 = tpu.vector_load %arg6[%swap3A_175, %swap3A_176] {strides = array<i32>} : memref<8x256xf32, #tpu.memory_space<vmem>>, vector<16xf32>,
      tpu.vector_store %arg6[%swap3A_175, %swap3A_176], %broadcast_in_dim3A_3 {strides = array<i32>} : memref<8x256xf32, #tpu.memory_space<vmem>>, vector<16xf32>,
      %mul3A_178 = arith.constant 16 : i32
      %mul3A_179 = arith.muli %scan3A_11, %mul3A_178 : i32
      %swap3A_180 = arith.constant 6 : i32
      %swap3A_181 = arith.index_cast %swap3A_180 : i32 to index
      %swap3A_182 = arith.index_cast %mul3A_179 : i32 to index
      %swap3A_183 = tpu.vector_load %arg6[%swap3A_181, %swap3A_182] {strides = array<i32>} : memref<8x256xf32, #tpu.memory_space<vmem>>, vector<16xf32>,
      tpu.vector_store %arg6[%swap3A_181, %swap3A_182], %broadcast_in_dim3A_3 {strides = array<i32>} : memref<8x256xf32, #tpu.memory_space<vmem>>, vector<16xf32>,
      %mul3A_184 = arith.constant 16 : i32
      %mul3A_185 = arith.muli %scan3A_11, %mul3A_184 : i32
      %swap3A_186 = arith.constant 7 : i32
      %swap3A_187 = arith.index_cast %swap3A_186 : i32 to index
      %swap3A_188 = arith.index_cast %mul3A_185 : i32 to index
      %swap3A_189 = tpu.vector_load %arg6[%swap3A_187, %swap3A_188] {strides = array<i32>} : memref<8x256xf32, #tpu.memory_space<vmem>>, vector<16xf32>,
      tpu.vector_store %arg6[%swap3A_187, %swap3A_188], %broadcast_in_dim3A_3 {strides = array<i32>} : memref<8x256xf32, #tpu.memory_space<vmem>>, vector<16xf32>,
      tpu.vector_store_idx %arg6[%min3A_136, %add3A_142], %div3A_138 : memref<8x256xf32, #tpu.memory_space<vmem>>[vector<16xi32>, vector<16xi32>], vector<16xf32>,
    }
    %scan3A_8 = arith.constant 16 : i32
    %add3A_9 = arith.constant 24576 : i32
    %add3A_10 = arith.addi %add3A_9, %mul3A_2 : i32
    "tpu.region"() ({
      %run_scoped3A = tpu.sem_alloc : memref<!tpu.dma_semaphore, #tpu.memory_space<semaphore_mem>>
      %dma_start3A = arith.constant 0 : i32
      %dma_start3A_11 = tpu.memref_slice %arg3[%dma_start3A, %add3A_10] : memref<8x32768xf32, #tpu.memory_space<hbm>> -> memref<8x256xf32, #tpu.memory_space<hbm>>
      %dma_start3A_12 = arith.constant 0 : i32
      %dma_start3A_13 = tpu.memref_slice %arg3[%dma_start3A_12, %add3A_10] : memref<8x32768xf32, #tpu.memory_space<hbm>> -> memref<8x256xf32, #tpu.memory_space<hbm>>
      tpu.enqueue_dma source(%arg6 : memref<8x256xf32, #tpu.memory_space<vmem>>) target(%dma_start3A_13 : memref<8x256xf32, #tpu.memory_space<hbm>>) target_semaphore(%run_scoped3A : memref<!tpu.dma_semaphore, #tpu.memory_space<semaphore_mem>>)
      %dma_wait3A = arith.constant 0 : i32
      %dma_wait3A_14 = tpu.memref_slice %arg3[%dma_wait3A, %add3A_10] : memref<8x32768xf32, #tpu.memory_space<hbm>> -> memref<8x256xf32, #tpu.memory_space<hbm>>
      %dma_wait3A_15 = arith.constant 0 : i32
      %dma_wait3A_16 = tpu.memref_slice %arg3[%dma_wait3A_15, %add3A_10] : memref<8x32768xf32, #tpu.memory_space<hbm>> -> memref<8x256xf32, #tpu.memory_space<hbm>>
      tpu.wait_dma2 semaphore(%run_scoped3A : memref<!tpu.dma_semaphore, #tpu.memory_space<semaphore_mem>>) src(%arg6 : memref<8x256xf32, #tpu.memory_space<vmem>>) dst(%dma_wait3A_16 : memref<8x256xf32, #tpu.memory_space<hbm>>)
      tpu.yield
    }) : () -> ()
    return
  }
}

#map = affine_map<(d0, d1) -> (0, 0)>
module attributes {stable_mosaic.version = 14 : i64} {
  func.func @new_body(%arg0: i32, %arg1: i32, %arg2: memref<8x8192xf32, #tpu.memory_space<hbm>>, %arg3: memref<8x32768xf32, #tpu.memory_space<hbm>>, %arg4: memref<8x32768xf32, #tpu.memory_space<hbm>>, %arg5: memref<8x256xf32, #tpu.memory_space<vmem>>, %arg6: memref<8x256xf32, #tpu.memory_space<vmem>>) attributes {dimension_semantics = [#tpu.dimension_semantics<core_parallel>, #tpu.dimension_semantics<subcore_parallel>], iteration_bounds = array<i64: 2, 16>, scalar_prefetch = 0 : i64, scratch_operands = 2 : i64, tpu.core_type = #tpu.core_type<sc_vector_subcore>, window_params = [{transform_indices = #map}, {transform_indices = #map}, {transform_indices = #map}]} {
    %mul3A = arith.constant 2 : i32
    %mul3A_0 = arith.muli %arg1, %mul3A : i32
    %add3A = arith.addi %mul3A_0, %arg0 : i32
    %mul3A_1 = arith.constant 256 : i32
    %mul3A_2 = arith.muli %add3A, %mul3A_1 : i32
    "tpu.region"() ({
      %run_scoped3A = tpu.sem_alloc : memref<!tpu.dma_semaphore, #tpu.memory_space<semaphore_mem>>
      %dma_start3A = arith.constant 0 : i32
      %dma_start3A_11 = tpu.memref_slice %arg2[%dma_start3A, %mul3A_2] : memref<8x8192xf32, #tpu.memory_space<hbm>> -> memref<8x256xf32, #tpu.memory_space<hbm>>
      %dma_start3A_12 = arith.constant 0 : i32
      %dma_start3A_13 = tpu.memref_slice %arg2[%dma_start3A_12, %mul3A_2] : memref<8x8192xf32, #tpu.memory_space<hbm>> -> memref<8x256xf32, #tpu.memory_space<hbm>>
      tpu.enqueue_dma source(%dma_start3A_13 : memref<8x256xf32, #tpu.memory_space<hbm>>) target(%arg5 : memref<8x256xf32, #tpu.memory_space<vmem>>) target_semaphore(%run_scoped3A : memref<!tpu.dma_semaphore, #tpu.memory_space<semaphore_mem>>)
      %dma_wait3A = arith.constant 0 : i32
      %dma_wait3A_14 = tpu.memref_slice %arg2[%dma_wait3A, %mul3A_2] : memref<8x8192xf32, #tpu.memory_space<hbm>> -> memref<8x256xf32, #tpu.memory_space<hbm>>
      %dma_wait3A_15 = arith.constant 0 : i32
      %dma_wait3A_16 = tpu.memref_slice %arg2[%dma_wait3A_15, %mul3A_2] : memref<8x8192xf32, #tpu.memory_space<hbm>> -> memref<8x256xf32, #tpu.memory_space<hbm>>
      tpu.wait_dma2 semaphore(%run_scoped3A : memref<!tpu.dma_semaphore, #tpu.memory_space<semaphore_mem>>) src(%dma_wait3A_16 : memref<8x256xf32, #tpu.memory_space<hbm>>) dst(%arg5 : memref<8x256xf32, #tpu.memory_space<vmem>>)
      tpu.yield
    }) : () -> ()
    %iota3A = tpu.iota {dimensions = array<i32: 0>} : vector<16xi32>
    %broadcast_in_dim3A = arith.constant 0.000000e+00 : f32
    %broadcast_in_dim3A_3 = vector.broadcast %broadcast_in_dim3A : f32 to vector<16xf32>
    %scan3A = arith.constant 0 : i32
    %scan3A_4 = arith.constant 0 : i32
    %scan3A_5 = arith.constant 16 : i32
    %scan3A_6 = arith.addi %scan3A_4, %scan3A_5 : i32
    %scan3A_7 = arith.constant 1 : i32
    scf.for %scan3A_11 = %scan3A_4 to %scan3A_6 step %scan3A_7  : i32 {
      %mul3A_12 = arith.constant 16 : i32
      %mul3A_13 = arith.muli %scan3A_11, %mul3A_12 : i32
      %get3A = arith.constant 0 : i32
      %get3A_14 = arith.index_cast %get3A : i32 to index
      %get3A_15 = arith.index_cast %mul3A_13 : i32 to index
      %get3A_16 = tpu.vector_load %arg5[%get3A_14, %get3A_15] {strides = array<i32>} : memref<8x256xf32, #tpu.memory_space<vmem>>, vector<16xf32>,
      %mul3A_17 = arith.constant 16 : i32
      %mul3A_18 = arith.muli %scan3A_11, %mul3A_17 : i32
      %get3A_19 = arith.constant 1 : i32
      %get3A_20 = arith.index_cast %get3A_19 : i32 to index
      %get3A_21 = arith.index_cast %mul3A_18 : i32 to index
      %get3A_22 = tpu.vector_load %arg5[%get3A_20, %get3A_21] {strides = array<i32>} : memref<8x256xf32, #tpu.memory_space<vmem>>, vector<16xf32>,
      %mul3A_23 = arith.constant 16 : i32
      %mul3A_24 = arith.muli %scan3A_11, %mul3A_23 : i32
      %get3A_25 = arith.constant 2 : i32
      %get3A_26 = arith.index_cast %get3A_25 : i32 to index
      %get3A_27 = arith.index_cast %mul3A_24 : i32 to index
      %get3A_28 = tpu.vector_load %arg5[%get3A_26, %get3A_27] {strides = array<i32>} : memref<8x256xf32, #tpu.memory_space<vmem>>, vector<16xf32>,
      %mul3A_29 = arith.constant 16 : i32
      %mul3A_30 = arith.muli %scan3A_11, %mul3A_29 : i32
      %get3A_31 = arith.constant 3 : i32
      %get3A_32 = arith.index_cast %get3A_31 : i32 to index
      %get3A_33 = arith.index_cast %mul3A_30 : i32 to index
      %get3A_34 = tpu.vector_load %arg5[%get3A_32, %get3A_33] {strides = array<i32>} : memref<8x256xf32, #tpu.memory_space<vmem>>, vector<16xf32>,
      %mul3A_35 = arith.constant 16 : i32
      %mul3A_36 = arith.muli %scan3A_11, %mul3A_35 : i32
      %get3A_37 = arith.constant 4 : i32
      %get3A_38 = arith.index_cast %get3A_37 : i32 to index
      %get3A_39 = arith.index_cast %mul3A_36 : i32 to index
      %get3A_40 = tpu.vector_load %arg5[%get3A_38, %get3A_39] {strides = array<i32>} : memref<8x256xf32, #tpu.memory_space<vmem>>, vector<16xf32>,
      %mul3A_41 = arith.constant 16 : i32
      %mul3A_42 = arith.muli %scan3A_11, %mul3A_41 : i32
      %get3A_43 = arith.constant 5 : i32
      %get3A_44 = arith.index_cast %get3A_43 : i32 to index
      %get3A_45 = arith.index_cast %mul3A_42 : i32 to index
      %get3A_46 = tpu.vector_load %arg5[%get3A_44, %get3A_45] {strides = array<i32>} : memref<8x256xf32, #tpu.memory_space<vmem>>, vector<16xf32>,
      %mul3A_47 = arith.constant 16 : i32
      %mul3A_48 = arith.muli %scan3A_11, %mul3A_47 : i32
      %get3A_49 = arith.constant 6 : i32
      %get3A_50 = arith.index_cast %get3A_49 : i32 to index
      %get3A_51 = arith.index_cast %mul3A_48 : i32 to index
      %get3A_52 = tpu.vector_load %arg5[%get3A_50, %get3A_51] {strides = array<i32>} : memref<8x256xf32, #tpu.memory_space<vmem>>, vector<16xf32>,
      %mul3A_53 = arith.constant 16 : i32
      %mul3A_54 = arith.muli %scan3A_11, %mul3A_53 : i32
      %get3A_55 = arith.constant 7 : i32
      %get3A_56 = arith.index_cast %get3A_55 : i32 to index
      %get3A_57 = arith.index_cast %mul3A_54 : i32 to index
      %get3A_58 = tpu.vector_load %arg5[%get3A_56, %get3A_57] {strides = array<i32>} : memref<8x256xf32, #tpu.memory_space<vmem>>, vector<16xf32>,
      %max3A = arith.maximumf %get3A_16, %get3A_22 : vector<16xf32>
      %max3A_59 = arith.maximumf %max3A, %get3A_28 : vector<16xf32>
      %max3A_60 = arith.maximumf %max3A_59, %get3A_34 : vector<16xf32>
      %max3A_61 = arith.maximumf %max3A_60, %get3A_40 : vector<16xf32>
      %max3A_62 = arith.maximumf %max3A_61, %get3A_46 : vector<16xf32>
      %max3A_63 = arith.maximumf %max3A_62, %get3A_52 : vector<16xf32>
      %max3A_64 = arith.maximumf %max3A_63, %get3A_58 : vector<16xf32>
      %sub3A = arith.subf %get3A_16, %max3A_64 : vector<16xf32>
      %exp3A = math.exp %sub3A : vector<16xf32>
      %eq3A = arith.cmpf oeq, %get3A_16, %max3A_64 : vector<16xf32>
      %jit3A = arith.constant 0 : i32
      %jit3A_65 = arith.constant 8 : i32
      %broadcast_in_dim3A_66 = vector.broadcast %jit3A : i32 to vector<16xi32>
      %broadcast_in_dim3A_67 = vector.broadcast %jit3A_65 : i32 to vector<16xi32>
      %select_n3A = arith.select %eq3A, %broadcast_in_dim3A_66, %broadcast_in_dim3A_67 : vector<16xi1>, vector<16xi32>
      %sub3A_68 = arith.subf %get3A_22, %max3A_64 : vector<16xf32>
      %exp3A_69 = math.exp %sub3A_68 : vector<16xf32>
      %add3A_70 = arith.addf %exp3A, %exp3A_69 : vector<16xf32>
      %eq3A_71 = arith.cmpf oeq, %get3A_22, %max3A_64 : vector<16xf32>
      %jit3A_72 = arith.constant 1 : i32
      %jit3A_73 = arith.constant 8 : i32
      %broadcast_in_dim3A_74 = vector.broadcast %jit3A_72 : i32 to vector<16xi32>
      %broadcast_in_dim3A_75 = vector.broadcast %jit3A_73 : i32 to vector<16xi32>
      %select_n3A_76 = arith.select %eq3A_71, %broadcast_in_dim3A_74, %broadcast_in_dim3A_75 : vector<16xi1>, vector<16xi32>
      %min3A = arith.minsi %select_n3A, %select_n3A_76 : vector<16xi32>
      %sub3A_77 = arith.subf %get3A_28, %max3A_64 : vector<16xf32>
      %exp3A_78 = math.exp %sub3A_77 : vector<16xf32>
      %add3A_79 = arith.addf %add3A_70, %exp3A_78 : vector<16xf32>
      %eq3A_80 = arith.cmpf oeq, %get3A_28, %max3A_64 : vector<16xf32>
      %jit3A_81 = arith.constant 2 : i32
      %jit3A_82 = arith.constant 8 : i32
      %broadcast_in_dim3A_83 = vector.broadcast %jit3A_81 : i32 to vector<16xi32>
      %broadcast_in_dim3A_84 = vector.broadcast %jit3A_82 : i32 to vector<16xi32>
      %select_n3A_85 = arith.select %eq3A_80, %broadcast_in_dim3A_83, %broadcast_in_dim3A_84 : vector<16xi1>, vector<16xi32>
      %min3A_86 = arith.minsi %min3A, %select_n3A_85 : vector<16xi32>
      %sub3A_87 = arith.subf %get3A_34, %max3A_64 : vector<16xf32>
      %exp3A_88 = math.exp %sub3A_87 : vector<16xf32>
      %add3A_89 = arith.addf %add3A_79, %exp3A_88 : vector<16xf32>
      %eq3A_90 = arith.cmpf oeq, %get3A_34, %max3A_64 : vector<16xf32>
      %jit3A_91 = arith.constant 3 : i32
      %jit3A_92 = arith.constant 8 : i32
      %broadcast_in_dim3A_93 = vector.broadcast %jit3A_91 : i32 to vector<16xi32>
      %broadcast_in_dim3A_94 = vector.broadcast %jit3A_92 : i32 to vector<16xi32>
      %select_n3A_95 = arith.select %eq3A_90, %broadcast_in_dim3A_93, %broadcast_in_dim3A_94 : vector<16xi1>, vector<16xi32>
      %min3A_96 = arith.minsi %min3A_86, %select_n3A_95 : vector<16xi32>
      %sub3A_97 = arith.subf %get3A_40, %max3A_64 : vector<16xf32>
      %exp3A_98 = math.exp %sub3A_97 : vector<16xf32>
      %add3A_99 = arith.addf %add3A_89, %exp3A_98 : vector<16xf32>
      %eq3A_100 = arith.cmpf oeq, %get3A_40, %max3A_64 : vector<16xf32>
      %jit3A_101 = arith.constant 4 : i32
      %jit3A_102 = arith.constant 8 : i32
      %broadcast_in_dim3A_103 = vector.broadcast %jit3A_101 : i32 to vector<16xi32>
      %broadcast_in_dim3A_104 = vector.broadcast %jit3A_102 : i32 to vector<16xi32>
      %select_n3A_105 = arith.select %eq3A_100, %broadcast_in_dim3A_103, %broadcast_in_dim3A_104 : vector<16xi1>, vector<16xi32>
      %min3A_106 = arith.minsi %min3A_96, %select_n3A_105 : vector<16xi32>
      %sub3A_107 = arith.subf %get3A_46, %max3A_64 : vector<16xf32>
      %exp3A_108 = math.exp %sub3A_107 : vector<16xf32>
      %add3A_109 = arith.addf %add3A_99, %exp3A_108 : vector<16xf32>
      %eq3A_110 = arith.cmpf oeq, %get3A_46, %max3A_64 : vector<16xf32>
      %jit3A_111 = arith.constant 5 : i32
      %jit3A_112 = arith.constant 8 : i32
      %broadcast_in_dim3A_113 = vector.broadcast %jit3A_111 : i32 to vector<16xi32>
      %broadcast_in_dim3A_114 = vector.broadcast %jit3A_112 : i32 to vector<16xi32>
      %select_n3A_115 = arith.select %eq3A_110, %broadcast_in_dim3A_113, %broadcast_in_dim3A_114 : vector<16xi1>, vector<16xi32>
      %min3A_116 = arith.minsi %min3A_106, %select_n3A_115 : vector<16xi32>
      %sub3A_117 = arith.subf %get3A_52, %max3A_64 : vector<16xf32>
      %exp3A_118 = math.exp %sub3A_117 : vector<16xf32>
      %add3A_119 = arith.addf %add3A_109, %exp3A_118 : vector<16xf32>
      %eq3A_120 = arith.cmpf oeq, %get3A_52, %max3A_64 : vector<16xf32>
      %jit3A_121 = arith.constant 6 : i32
      %jit3A_122 = arith.constant 8 : i32
      %broadcast_in_dim3A_123 = vector.broadcast %jit3A_121 : i32 to vector<16xi32>
      %broadcast_in_dim3A_124 = vector.broadcast %jit3A_122 : i32 to vector<16xi32>
      %select_n3A_125 = arith.select %eq3A_120, %broadcast_in_dim3A_123, %broadcast_in_dim3A_124 : vector<16xi1>, vector<16xi32>
      %min3A_126 = arith.minsi %min3A_116, %select_n3A_125 : vector<16xi32>
      %sub3A_127 = arith.subf %get3A_58, %max3A_64 : vector<16xf32>
      %exp3A_128 = math.exp %sub3A_127 : vector<16xf32>
      %add3A_129 = arith.addf %add3A_119, %exp3A_128 : vector<16xf32>
      %eq3A_130 = arith.cmpf oeq, %get3A_58, %max3A_64 : vector<16xf32>
      %jit3A_131 = arith.constant 7 : i32
      %jit3A_132 = arith.constant 8 : i32
      %broadcast_in_dim3A_133 = vector.broadcast %jit3A_131 : i32 to vector<16xi32>
      %broadcast_in_dim3A_134 = vector.broadcast %jit3A_132 : i32 to vector<16xi32>
      %select_n3A_135 = arith.select %eq3A_130, %broadcast_in_dim3A_133, %broadcast_in_dim3A_134 : vector<16xi1>, vector<16xi32>
      %min3A_136 = arith.minsi %min3A_126, %select_n3A_135 : vector<16xi32>
      %div3A = arith.constant 1.000000e+00 : f32
      %div3A_137 = vector.broadcast %div3A : f32 to vector<16xf32>
      %div3A_138 = arith.divf %div3A_137, %add3A_129 : vector<16xf32>
      %mul3A_139 = arith.constant 16 : i32
      %mul3A_140 = arith.muli %scan3A_11, %mul3A_139 : i32
      %add3A_141 = vector.broadcast %mul3A_140 : i32 to vector<16xi32>
      %add3A_142 = arith.addi %add3A_141, %iota3A : vector<16xi32>
      %mul3A_143 = arith.constant 16 : i32
      %mul3A_144 = arith.muli %scan3A_11, %mul3A_143 : i32
      %swap3A = arith.constant 0 : i32
      %swap3A_145 = arith.index_cast %swap3A : i32 to index
      %swap3A_146 = arith.index_cast %mul3A_144 : i32 to index
      %swap3A_147 = tpu.vector_load %arg6[%swap3A_145, %swap3A_146] {strides = array<i32>} : memref<8x256xf32, #tpu.memory_space<vmem>>, vector<16xf32>,
      tpu.vector_store %arg6[%swap3A_145, %swap3A_146], %broadcast_in_dim3A_3 {strides = array<i32>} : memref<8x256xf32, #tpu.memory_space<vmem>>, vector<16xf32>,
      %mul3A_148 = arith.constant 16 : i32
      %mul3A_149 = arith.muli %scan3A_11, %mul3A_148 : i32
      %swap3A_150 = arith.constant 1 : i32
      %swap3A_151 = arith.index_cast %swap3A_150 : i32 to index
      %swap3A_152 = arith.index_cast %mul3A_149 : i32 to index
      %swap3A_153 = tpu.vector_load %arg6[%swap3A_151, %swap3A_152] {strides = array<i32>} : memref<8x256xf32, #tpu.memory_space<vmem>>, vector<16xf32>,
      tpu.vector_store %arg6[%swap3A_151, %swap3A_152], %broadcast_in_dim3A_3 {strides = array<i32>} : memref<8x256xf32, #tpu.memory_space<vmem>>, vector<16xf32>,
      %mul3A_154 = arith.constant 16 : i32
      %mul3A_155 = arith.muli %scan3A_11, %mul3A_154 : i32
      %swap3A_156 = arith.constant 2 : i32
      %swap3A_157 = arith.index_cast %swap3A_156 : i32 to index
      %swap3A_158 = arith.index_cast %mul3A_155 : i32 to index
      %swap3A_159 = tpu.vector_load %arg6[%swap3A_157, %swap3A_158] {strides = array<i32>} : memref<8x256xf32, #tpu.memory_space<vmem>>, vector<16xf32>,
      tpu.vector_store %arg6[%swap3A_157, %swap3A_158], %broadcast_in_dim3A_3 {strides = array<i32>} : memref<8x256xf32, #tpu.memory_space<vmem>>, vector<16xf32>,
      %mul3A_160 = arith.constant 16 : i32
      %mul3A_161 = arith.muli %scan3A_11, %mul3A_160 : i32
      %swap3A_162 = arith.constant 3 : i32
      %swap3A_163 = arith.index_cast %swap3A_162 : i32 to index
      %swap3A_164 = arith.index_cast %mul3A_161 : i32 to index
      %swap3A_165 = tpu.vector_load %arg6[%swap3A_163, %swap3A_164] {strides = array<i32>} : memref<8x256xf32, #tpu.memory_space<vmem>>, vector<16xf32>,
      tpu.vector_store %arg6[%swap3A_163, %swap3A_164], %broadcast_in_dim3A_3 {strides = array<i32>} : memref<8x256xf32, #tpu.memory_space<vmem>>, vector<16xf32>,
      %mul3A_166 = arith.constant 16 : i32
      %mul3A_167 = arith.muli %scan3A_11, %mul3A_166 : i32
      %swap3A_168 = arith.constant 4 : i32
      %swap3A_169 = arith.index_cast %swap3A_168 : i32 to index
      %swap3A_170 = arith.index_cast %mul3A_167 : i32 to index
      %swap3A_171 = tpu.vector_load %arg6[%swap3A_169, %swap3A_170] {strides = array<i32>} : memref<8x256xf32, #tpu.memory_space<vmem>>, vector<16xf32>,
      tpu.vector_store %arg6[%swap3A_169, %swap3A_170], %broadcast_in_dim3A_3 {strides = array<i32>} : memref<8x256xf32, #tpu.memory_space<vmem>>, vector<16xf32>,
      %mul3A_172 = arith.constant 16 : i32
      %mul3A_173 = arith.muli %scan3A_11, %mul3A_172 : i32
      %swap3A_174 = arith.constant 5 : i32
      %swap3A_175 = arith.index_cast %swap3A_174 : i32 to index
      %swap3A_176 = arith.index_cast %mul3A_173 : i32 to index
      %swap3A_177 = tpu.vector_load %arg6[%swap3A_175, %swap3A_176] {strides = array<i32>} : memref<8x256xf32, #tpu.memory_space<vmem>>, vector<16xf32>,
      tpu.vector_store %arg6[%swap3A_175, %swap3A_176], %broadcast_in_dim3A_3 {strides = array<i32>} : memref<8x256xf32, #tpu.memory_space<vmem>>, vector<16xf32>,
      %mul3A_178 = arith.constant 16 : i32
      %mul3A_179 = arith.muli %scan3A_11, %mul3A_178 : i32
      %swap3A_180 = arith.constant 6 : i32
      %swap3A_181 = arith.index_cast %swap3A_180 : i32 to index
      %swap3A_182 = arith.index_cast %mul3A_179 : i32 to index
      %swap3A_183 = tpu.vector_load %arg6[%swap3A_181, %swap3A_182] {strides = array<i32>} : memref<8x256xf32, #tpu.memory_space<vmem>>, vector<16xf32>,
      tpu.vector_store %arg6[%swap3A_181, %swap3A_182], %broadcast_in_dim3A_3 {strides = array<i32>} : memref<8x256xf32, #tpu.memory_space<vmem>>, vector<16xf32>,
      %mul3A_184 = arith.constant 16 : i32
      %mul3A_185 = arith.muli %scan3A_11, %mul3A_184 : i32
      %swap3A_186 = arith.constant 7 : i32
      %swap3A_187 = arith.index_cast %swap3A_186 : i32 to index
      %swap3A_188 = arith.index_cast %mul3A_185 : i32 to index
      %swap3A_189 = tpu.vector_load %arg6[%swap3A_187, %swap3A_188] {strides = array<i32>} : memref<8x256xf32, #tpu.memory_space<vmem>>, vector<16xf32>,
      tpu.vector_store %arg6[%swap3A_187, %swap3A_188], %broadcast_in_dim3A_3 {strides = array<i32>} : memref<8x256xf32, #tpu.memory_space<vmem>>, vector<16xf32>,
      tpu.vector_store_idx %arg6[%min3A_136, %add3A_142], %div3A_138 : memref<8x256xf32, #tpu.memory_space<vmem>>[vector<16xi32>, vector<16xi32>], vector<16xf32>,
    }
    %scan3A_8 = arith.constant 16 : i32
    %add3A_9 = arith.constant 16384 : i32
    %add3A_10 = arith.addi %add3A_9, %mul3A_2 : i32
    "tpu.region"() ({
      %run_scoped3A = tpu.sem_alloc : memref<!tpu.dma_semaphore, #tpu.memory_space<semaphore_mem>>
      %dma_start3A = arith.constant 0 : i32
      %dma_start3A_11 = tpu.memref_slice %arg3[%dma_start3A, %add3A_10] : memref<8x32768xf32, #tpu.memory_space<hbm>> -> memref<8x256xf32, #tpu.memory_space<hbm>>
      %dma_start3A_12 = arith.constant 0 : i32
      %dma_start3A_13 = tpu.memref_slice %arg3[%dma_start3A_12, %add3A_10] : memref<8x32768xf32, #tpu.memory_space<hbm>> -> memref<8x256xf32, #tpu.memory_space<hbm>>
      tpu.enqueue_dma source(%arg6 : memref<8x256xf32, #tpu.memory_space<vmem>>) target(%dma_start3A_13 : memref<8x256xf32, #tpu.memory_space<hbm>>) target_semaphore(%run_scoped3A : memref<!tpu.dma_semaphore, #tpu.memory_space<semaphore_mem>>)
      %dma_wait3A = arith.constant 0 : i32
      %dma_wait3A_14 = tpu.memref_slice %arg3[%dma_wait3A, %add3A_10] : memref<8x32768xf32, #tpu.memory_space<hbm>> -> memref<8x256xf32, #tpu.memory_space<hbm>>
      %dma_wait3A_15 = arith.constant 0 : i32
      %dma_wait3A_16 = tpu.memref_slice %arg3[%dma_wait3A_15, %add3A_10] : memref<8x32768xf32, #tpu.memory_space<hbm>> -> memref<8x256xf32, #tpu.memory_space<hbm>>
      tpu.wait_dma2 semaphore(%run_scoped3A : memref<!tpu.dma_semaphore, #tpu.memory_space<semaphore_mem>>) src(%arg6 : memref<8x256xf32, #tpu.memory_space<vmem>>) dst(%dma_wait3A_16 : memref<8x256xf32, #tpu.memory_space<hbm>>)
      tpu.yield
    }) : () -> ()
    return
  }
}

module attributes {stable_mosaic.version = 14 : i64} {
  func.func @_scores_kernel(%arg0: i32, %arg1: memref<4096x768xf32, #tpu.memory_space<vmem>>, %arg2: memref<8x768xf32, #tpu.memory_space<vmem>>, %arg3: memref<8xf32, #tpu.memory_space<vmem>>, %arg4: memref<8x4096xf32, #tpu.memory_space<vmem>>) attributes {dimension_semantics = [#tpu.dimension_semantics<arbitrary>], iteration_bounds = array<i64: 2>, scalar_prefetch = 0 : i64, scratch_operands = 0 : i64, tpu.core_type = #tpu.core_type<tc>, window_params = [{transform_indices = @transform_0, window_bounds = array<i64: 4096, 768>}, {pipeline_mode = #tpu.pipeline_mode<synchronous>, transform_indices = @transform_1, window_bounds = array<i64: 8, 768>}, {pipeline_mode = #tpu.pipeline_mode<synchronous>, transform_indices = @transform_2, window_bounds = array<i64: 8>}, {transform_indices = @transform_3, window_bounds = array<i64: 8, 4096>}]} {
    %get3A = arith.constant 0 : index
    %get3A_0 = arith.constant 0 : index
    %get3A_1 = vector.load %arg1[%get3A, %get3A_0] : memref<4096x768xf32, #tpu.memory_space<vmem>>, vector<4096x768xf32>
    %get3A_2 = arith.constant 0 : index
    %get3A_3 = arith.constant 0 : index
    %get3A_4 = vector.load %arg2[%get3A_2, %get3A_3] : memref<8x768xf32, #tpu.memory_space<vmem>>, vector<8x768xf32>
    %dot_general3A = arith.constant dense<0.000000e+00> : vector<8x4096xf32>
    %dot_general3A_5 = tpu.matmul %get3A_4, %get3A_1, %dot_general3A {dimension_numbers = #tpu.dot_dimension_numbers<[1], [1], [0], [0], [0, 0, 1, 0], [], []>, transpose_lhs_hint = false} : vector<8x768xf32>, vector<4096x768xf32>, vector<8x4096xf32> -> vector<8x4096xf32>
    %get3A_6 = arith.constant 0 : index
    %get3A_7 = vector.load %arg3[%get3A_6] : memref<8xf32, #tpu.memory_space<vmem>>, vector<8xf32>
    %broadcast_in_dim3A = vector.shape_cast %get3A_7 : vector<8xf32> to vector<8x1xf32>
    %add3A = vector.broadcast %broadcast_in_dim3A : vector<8x1xf32> to vector<8x4096xf32>
    %add3A_8 = arith.addf %dot_general3A_5, %add3A : vector<8x4096xf32>
    %swap3A = arith.constant 0 : index
    %swap3A_9 = arith.constant 0 : index
    %swap3A_10 = vector.load %arg4[%swap3A, %swap3A_9] : memref<8x4096xf32, #tpu.memory_space<vmem>>, vector<8x4096xf32>
    tpu.vector_store %arg4[%swap3A, %swap3A_9], %add3A_8 {strides = array<i32>} : memref<8x4096xf32, #tpu.memory_space<vmem>>, vector<8x4096xf32>,
    return
  }
  func.func @transform_0(%arg0: i32) -> (i32, i32) {
    %add3A = arith.constant 4 : i32
    %add3A_0 = arith.addi %add3A, %arg0 : i32
    %c0_i32 = arith.constant 0 : i32
    %c0_i32_1 = arith.constant 0 : i32
    return %add3A_0, %c0_i32 : i32, i32
  }
  func.func @transform_1(%arg0: i32) -> (i32, i32) {
    %c0_i32 = arith.constant 0 : i32
    %c0_i32_0 = arith.constant 0 : i32
    %c0_i32_1 = arith.constant 0 : i32
    return %c0_i32, %c0_i32_0 : i32, i32
  }
  func.func @transform_2(%arg0: i32) -> i32 {
    %c0_i32 = arith.constant 0 : i32
    %c0_i32_0 = arith.constant 0 : i32
    return %c0_i32 : i32
  }
  func.func @transform_3(%arg0: i32) -> (i32, i32) {
    %c0_i32 = arith.constant 0 : i32
    %c0_i32_0 = arith.constant 0 : i32
    return %c0_i32, %arg0 : i32, i32
  }
}

module attributes {stable_mosaic.version = 14 : i64} {
  func.func @_scores_kernel(%arg0: i32, %arg1: memref<4096x768xf32, #tpu.memory_space<vmem>>, %arg2: memref<8x768xf32, #tpu.memory_space<vmem>>, %arg3: memref<8xf32, #tpu.memory_space<vmem>>, %arg4: memref<8x4096xf32, #tpu.memory_space<vmem>>) attributes {dimension_semantics = [#tpu.dimension_semantics<arbitrary>], iteration_bounds = array<i64: 2>, scalar_prefetch = 0 : i64, scratch_operands = 0 : i64, tpu.core_type = #tpu.core_type<tc>, window_params = [{transform_indices = @transform_0, window_bounds = array<i64: 4096, 768>}, {pipeline_mode = #tpu.pipeline_mode<synchronous>, transform_indices = @transform_1, window_bounds = array<i64: 8, 768>}, {pipeline_mode = #tpu.pipeline_mode<synchronous>, transform_indices = @transform_2, window_bounds = array<i64: 8>}, {transform_indices = @transform_3, window_bounds = array<i64: 8, 4096>}]} {
    %get3A = arith.constant 0 : index
    %get3A_0 = arith.constant 0 : index
    %get3A_1 = vector.load %arg1[%get3A, %get3A_0] : memref<4096x768xf32, #tpu.memory_space<vmem>>, vector<4096x768xf32>
    %get3A_2 = arith.constant 0 : index
    %get3A_3 = arith.constant 0 : index
    %get3A_4 = vector.load %arg2[%get3A_2, %get3A_3] : memref<8x768xf32, #tpu.memory_space<vmem>>, vector<8x768xf32>
    %dot_general3A = arith.constant dense<0.000000e+00> : vector<8x4096xf32>
    %dot_general3A_5 = tpu.matmul %get3A_4, %get3A_1, %dot_general3A {dimension_numbers = #tpu.dot_dimension_numbers<[1], [1], [0], [0], [0, 0, 1, 0], [], []>, transpose_lhs_hint = false} : vector<8x768xf32>, vector<4096x768xf32>, vector<8x4096xf32> -> vector<8x4096xf32>
    %get3A_6 = arith.constant 0 : index
    %get3A_7 = vector.load %arg3[%get3A_6] : memref<8xf32, #tpu.memory_space<vmem>>, vector<8xf32>
    %broadcast_in_dim3A = vector.shape_cast %get3A_7 : vector<8xf32> to vector<8x1xf32>
    %add3A = vector.broadcast %broadcast_in_dim3A : vector<8x1xf32> to vector<8x4096xf32>
    %add3A_8 = arith.addf %dot_general3A_5, %add3A : vector<8x4096xf32>
    %swap3A = arith.constant 0 : index
    %swap3A_9 = arith.constant 0 : index
    %swap3A_10 = vector.load %arg4[%swap3A, %swap3A_9] : memref<8x4096xf32, #tpu.memory_space<vmem>>, vector<8x4096xf32>
    tpu.vector_store %arg4[%swap3A, %swap3A_9], %add3A_8 {strides = array<i32>} : memref<8x4096xf32, #tpu.memory_space<vmem>>, vector<8x4096xf32>,
    return
  }
  func.func @transform_0(%arg0: i32) -> (i32, i32) {
    %add3A = arith.constant 2 : i32
    %add3A_0 = arith.addi %add3A, %arg0 : i32
    %c0_i32 = arith.constant 0 : i32
    %c0_i32_1 = arith.constant 0 : i32
    return %add3A_0, %c0_i32 : i32, i32
  }
  func.func @transform_1(%arg0: i32) -> (i32, i32) {
    %c0_i32 = arith.constant 0 : i32
    %c0_i32_0 = arith.constant 0 : i32
    %c0_i32_1 = arith.constant 0 : i32
    return %c0_i32, %c0_i32_0 : i32, i32
  }
  func.func @transform_2(%arg0: i32) -> i32 {
    %c0_i32 = arith.constant 0 : i32
    %c0_i32_0 = arith.constant 0 : i32
    return %c0_i32 : i32
  }
  func.func @transform_3(%arg0: i32) -> (i32, i32) {
    %c0_i32 = arith.constant 0 : i32
    %c0_i32_0 = arith.constant 0 : i32
    return %c0_i32, %arg0 : i32, i32
  }
}

module attributes {stable_mosaic.version = 14 : i64} {
  func.func @_scores_kernel(%arg0: i32, %arg1: memref<4096x768xf32, #tpu.memory_space<vmem>>, %arg2: memref<8x768xf32, #tpu.memory_space<vmem>>, %arg3: memref<8xf32, #tpu.memory_space<vmem>>, %arg4: memref<8x4096xf32, #tpu.memory_space<vmem>>) attributes {dimension_semantics = [#tpu.dimension_semantics<arbitrary>], iteration_bounds = array<i64: 2>, scalar_prefetch = 0 : i64, scratch_operands = 0 : i64, tpu.core_type = #tpu.core_type<tc>, window_params = [{transform_indices = @transform_0, window_bounds = array<i64: 4096, 768>}, {pipeline_mode = #tpu.pipeline_mode<synchronous>, transform_indices = @transform_1, window_bounds = array<i64: 8, 768>}, {pipeline_mode = #tpu.pipeline_mode<synchronous>, transform_indices = @transform_2, window_bounds = array<i64: 8>}, {transform_indices = @transform_3, window_bounds = array<i64: 8, 4096>}]} {
    %get3A = arith.constant 0 : index
    %get3A_0 = arith.constant 0 : index
    %get3A_1 = vector.load %arg1[%get3A, %get3A_0] : memref<4096x768xf32, #tpu.memory_space<vmem>>, vector<4096x768xf32>
    %get3A_2 = arith.constant 0 : index
    %get3A_3 = arith.constant 0 : index
    %get3A_4 = vector.load %arg2[%get3A_2, %get3A_3] : memref<8x768xf32, #tpu.memory_space<vmem>>, vector<8x768xf32>
    %dot_general3A = arith.constant dense<0.000000e+00> : vector<8x4096xf32>
    %dot_general3A_5 = tpu.matmul %get3A_4, %get3A_1, %dot_general3A {dimension_numbers = #tpu.dot_dimension_numbers<[1], [1], [0], [0], [0, 0, 1, 0], [], []>, transpose_lhs_hint = false} : vector<8x768xf32>, vector<4096x768xf32>, vector<8x4096xf32> -> vector<8x4096xf32>
    %get3A_6 = arith.constant 0 : index
    %get3A_7 = vector.load %arg3[%get3A_6] : memref<8xf32, #tpu.memory_space<vmem>>, vector<8xf32>
    %broadcast_in_dim3A = vector.shape_cast %get3A_7 : vector<8xf32> to vector<8x1xf32>
    %add3A = vector.broadcast %broadcast_in_dim3A : vector<8x1xf32> to vector<8x4096xf32>
    %add3A_8 = arith.addf %dot_general3A_5, %add3A : vector<8x4096xf32>
    %swap3A = arith.constant 0 : index
    %swap3A_9 = arith.constant 0 : index
    %swap3A_10 = vector.load %arg4[%swap3A, %swap3A_9] : memref<8x4096xf32, #tpu.memory_space<vmem>>, vector<8x4096xf32>
    tpu.vector_store %arg4[%swap3A, %swap3A_9], %add3A_8 {strides = array<i32>} : memref<8x4096xf32, #tpu.memory_space<vmem>>, vector<8x4096xf32>,
    return
  }
  func.func @transform_0(%arg0: i32) -> (i32, i32) {
    %add3A = arith.constant 0 : i32
    %add3A_0 = arith.addi %add3A, %arg0 : i32
    %c0_i32 = arith.constant 0 : i32
    %c0_i32_1 = arith.constant 0 : i32
    return %add3A_0, %c0_i32 : i32, i32
  }
  func.func @transform_1(%arg0: i32) -> (i32, i32) {
    %c0_i32 = arith.constant 0 : i32
    %c0_i32_0 = arith.constant 0 : i32
    %c0_i32_1 = arith.constant 0 : i32
    return %c0_i32, %c0_i32_0 : i32, i32
  }
  func.func @transform_2(%arg0: i32) -> i32 {
    %c0_i32 = arith.constant 0 : i32
    %c0_i32_0 = arith.constant 0 : i32
    return %c0_i32 : i32
  }
  func.func @transform_3(%arg0: i32) -> (i32, i32) {
    %c0_i32 = arith.constant 0 : i32
    %c0_i32_0 = arith.constant 0 : i32
    return %c0_i32, %arg0 : i32, i32
  }
}

module attributes {stable_mosaic.version = 14 : i64} {
  func.func @_scores_kernel(%arg0: i32, %arg1: memref<4096x768xf32, #tpu.memory_space<vmem>>, %arg2: memref<8x768xf32, #tpu.memory_space<vmem>>, %arg3: memref<8xf32, #tpu.memory_space<vmem>>, %arg4: memref<8x4096xf32, #tpu.memory_space<vmem>>) attributes {dimension_semantics = [#tpu.dimension_semantics<arbitrary>], iteration_bounds = array<i64: 2>, scalar_prefetch = 0 : i64, scratch_operands = 0 : i64, tpu.core_type = #tpu.core_type<tc>, window_params = [{transform_indices = @transform_0, window_bounds = array<i64: 4096, 768>}, {pipeline_mode = #tpu.pipeline_mode<synchronous>, transform_indices = @transform_1, window_bounds = array<i64: 8, 768>}, {pipeline_mode = #tpu.pipeline_mode<synchronous>, transform_indices = @transform_2, window_bounds = array<i64: 8>}, {transform_indices = @transform_3, window_bounds = array<i64: 8, 4096>}]} {
    %get3A = arith.constant 0 : index
    %get3A_0 = arith.constant 0 : index
    %get3A_1 = vector.load %arg1[%get3A, %get3A_0] : memref<4096x768xf32, #tpu.memory_space<vmem>>, vector<4096x768xf32>
    %get3A_2 = arith.constant 0 : index
    %get3A_3 = arith.constant 0 : index
    %get3A_4 = vector.load %arg2[%get3A_2, %get3A_3] : memref<8x768xf32, #tpu.memory_space<vmem>>, vector<8x768xf32>
    %dot_general3A = arith.constant dense<0.000000e+00> : vector<8x4096xf32>
    %dot_general3A_5 = tpu.matmul %get3A_4, %get3A_1, %dot_general3A {dimension_numbers = #tpu.dot_dimension_numbers<[1], [1], [0], [0], [0, 0, 1, 0], [], []>, transpose_lhs_hint = false} : vector<8x768xf32>, vector<4096x768xf32>, vector<8x4096xf32> -> vector<8x4096xf32>
    %get3A_6 = arith.constant 0 : index
    %get3A_7 = vector.load %arg3[%get3A_6] : memref<8xf32, #tpu.memory_space<vmem>>, vector<8xf32>
    %broadcast_in_dim3A = vector.shape_cast %get3A_7 : vector<8xf32> to vector<8x1xf32>
    %add3A = vector.broadcast %broadcast_in_dim3A : vector<8x1xf32> to vector<8x4096xf32>
    %add3A_8 = arith.addf %dot_general3A_5, %add3A : vector<8x4096xf32>
    %swap3A = arith.constant 0 : index
    %swap3A_9 = arith.constant 0 : index
    %swap3A_10 = vector.load %arg4[%swap3A, %swap3A_9] : memref<8x4096xf32, #tpu.memory_space<vmem>>, vector<8x4096xf32>
    tpu.vector_store %arg4[%swap3A, %swap3A_9], %add3A_8 {strides = array<i32>} : memref<8x4096xf32, #tpu.memory_space<vmem>>, vector<8x4096xf32>,
    return
  }
  func.func @transform_0(%arg0: i32) -> (i32, i32) {
    %add3A = arith.constant 6 : i32
    %add3A_0 = arith.addi %add3A, %arg0 : i32
    %c0_i32 = arith.constant 0 : i32
    %c0_i32_1 = arith.constant 0 : i32
    return %add3A_0, %c0_i32 : i32, i32
  }
  func.func @transform_1(%arg0: i32) -> (i32, i32) {
    %c0_i32 = arith.constant 0 : i32
    %c0_i32_0 = arith.constant 0 : i32
    %c0_i32_1 = arith.constant 0 : i32
    return %c0_i32, %c0_i32_0 : i32, i32
  }
  func.func @transform_2(%arg0: i32) -> i32 {
    %c0_i32 = arith.constant 0 : i32
    %c0_i32_0 = arith.constant 0 : i32
    return %c0_i32 : i32
  }
  func.func @transform_3(%arg0: i32) -> (i32, i32) {
    %c0_i32 = arith.constant 0 : i32
    %c0_i32_0 = arith.constant 0 : i32
    return %c0_i32, %arg0 : i32, i32
  }
}

</mosaic_0001>

<sc_bundles>
// kernel: kernel.10.cloned.1.call-start
scs
__scs_entry_jumppad:
0x0: {  	(pc) =	sbr.rel $0x88, $3  }
0x1: {  	(tag) =	ssettag $0x0;
	lr =	simm.s32 $0x1  }
0x2: {  	[smem:$0x3F9E] =	sst lr;
	_ =	strace $0xD0000000  }
0x3: {  	_ = 	snop  }
0x4: {  	_ = 	snop  }
0x5: {  	_ = 	snop  }
0x6: {  	_ = 	snop  }
0x7: {  	_ = 	snop  }
__scs_overlays_trampoline_lowered:
0x8: {  	[smem:$0x3FAD] =	sst s0  }
0x9: {  	[smem:$0x3FAE] =	sst s1  }
0xa: {  	[smem:$0x3FAF] =	sst s2  }
0xb: {  	[smem:$0x3FB0] =	sst s3  }
0xc: {  	[smem:$0x3FB1] =	sst s4  }
0xd: {  	[smem:$0x3FB2] =	sst s5  }
0xe: {  	[smem:$0x3FB3] =	sst s6  }
0xf: {  	[smem:$0x3FB4] =	sst s7  }
0x10: {  	[smem:$0x3FB5] =	sst s8  }
0x11: {  	[smem:$0x3FB6] =	sst s9;
	s0 =	simm.s32 @!p0 $0x0  }
0x12: {  	s1 =	sld [smem:$0x3F9C];
	s0 =	simm.s32 @p0 $0x1  }
0x13: {  	[smem:$0x3FB7] =	sst s0;
	s0 =	simm.s32 @!p1 $0x0  }
0x14: {  	s2 =	sld [smem:$0x3F9B];
	s0 =	simm.s32 @p1 $0x1  }
0x15: {  	[smem:$0x3FB8] =	sst s0;
	s0 =	simm.s32 @!p2 $0x0  }
0x16: {  	s3 =	sld [smem:$0x3FDB];
	s0 =	simm.s32 @p2 $0x1  }
0x17: {  	s4 =	simm.s32 $0x1BF5;
	[smem:$0x3FBA] =	sst s0  }
0x18: {  	s0 =	sld [smem:$0x3F9D];
	_ =	swait.ge [sflag:s4], $0x0  }
0x19: {  	s7 =	sld [smem:$0x3F9E]  }
0x1a: {  	s8 =	sadd.s32 $0xFFFFE003, lr  }
0x1b: {  	s9 =	sadd.s32 $0xFFFFFEF7, lr;
	s5 =	simm.s32 $0xFFFFFFFF;
	p2 =	slt.u32 s8, $0xFFFFF086  }
0x1c: {  	p1 =	slt.u32 s9, $0xF7A;
	s5 =	simm.s32 @!p2 $0x0  }
0x1d: {  	s5 =	simm.s32 @p1 $0x1;
	p0 =	seq.s32 s7, s2  }
0x1e: {  	s7 =	smul.u32 @!p0 $0xF7A, s2;
	p2 =	seq.s32 @!p0 s5, $0x0  }
0x1f: {  	s9 =	smul.u32 $0xF7A, s1;
	s8 =	simm.s32 @!p0 $0x1BF5;
	p2 =	por !p2, p0  }
0x20: {  	[sflag:s8] =	ssyncset.s32 @!p0 $0xFFFFF086;
	s6 =	sadd.s32 @!p0 s3, s7;
	s7 =	simm.s32 @!p0 $0x108  }
0x21: {  	s3 =	sadd.s32 s3, s9;
	s6 =	sadd.s32 @!p0 $0x88, s6;
	s7 =	simm.s32 @p2 $0x1082  }
0x22: {  	[simem:s7], [sflag:s8] =	dma.local @!p0 [hbm:s6], $0xF7A  }
0x23: {  	s9 =	sor.u32 $0xD0000000, s2;
	s6 =	simm.s32 $0x108;
	_ =	swait.ge @!p0 [sflag:s8], $0x0  }
0x24: {  	s3 =	sadd.s32 $0x88, s3;
	s6 =	simm.s32 @!p1 $0x1082;
	[sflag:s4] =	ssyncset.s32 $0xFFFFF086  }
0x25: {  	[simem:s6], [sflag:s4] =	dma.local [hbm:s3], $0xF7A  }
0x26: {  	[smem:$0x3F9E] =	sst s1;
	(tag) =	ssettag s2;
	_ =	strace s9  }
0x27: {  	s1 =	sld [smem:$0x3FAE]  }
0x28: {  	s2 =	sld [smem:$0x3FAF]  }
0x29: {  	s4 =	sld [smem:$0x3FB1]  }
0x2a: {  	p0 =	seq.s32 s5, $0x0;
	s5 =	sld [smem:$0x3FB2]  }
0x2b: {  	s6 =	sld [smem:$0x3FB3]  }
0x2c: {  	s7 =	sld [smem:$0x3FB4]  }
0x2d: {  	s3 =	simm.s32 $0x108;
	s8 =	sld [smem:$0x3FB5]  }
0x2e: {  	s3 =	simm.s32 @!p0 $0x1082;
	s9 =	sld [smem:$0x3FB6]  }
0x2f: {  	lr =	sadd.s32 s0, s3;
	s0 =	sld [smem:$0x3FAD]  }
0x30: {  	s3 =	sld [smem:$0x3FB0]  }
0x31: {  	[smem:$0x3FB9] =	sst s10  }
0x32: {  	s10 =	sld [smem:$0x3FB7];
	_ =	sdelay $0x3  }
0x33: {  	p0 =	seq.s32 s10, $0x1;
	s10 =	sld [smem:$0x3FB9];
	_ =	sdelay $0x3  }
0x34: {  	[smem:$0x3FB9] =	sst s10  }
0x35: {  	s10 =	sld [smem:$0x3FB8];
	_ =	sdelay $0x3  }
0x36: {  	p1 =	seq.s32 s10, $0x1;
	s10 =	sld [smem:$0x3FB9];
	_ =	sdelay $0x3  }
0x37: {  	[smem:$0x3FB9] =	sst s10  }
0x38: {  	s10 =	sld [smem:$0x3FBA]  }
0x39: {  	_ = 	snop;
	(pc) =	sbr.ind lr, $3  }
0x3a: {  	_ = 	snop  }
0x3b: {  	_ = 	snop  }
0x3c: {  	p2 =	seq.s32 s10, $0x1;
	s10 =	sld [smem:$0x3FB9]  }
0x3d: {  	_ =	shalt  }
0x3e: {  	_ =	shalt  }
0x3f: {  	_ =	shalt  }
0x40: {  	_ =	shalt  }
0x41: {  	_ =	shalt  }
0x42: {  	_ =	shalt  }
0x43: {  	_ =	shalt  }
0x44: {  	_ =	shalt  }
0x45: {  	_ =	shalt  }
0x46: {  	_ =	shalt  }
0x47: {  	_ =	shalt  }
0x48: {  	_ =	shalt  }
0x49: {  	_ =	shalt  }
0x4a: {  	_ =	shalt  }
0x4b: {  	_ =	shalt  }
0x4c: {  	_ =	shalt  }
0x4d: {  	_ =	shalt  }
0x4e: {  	_ =	shalt  }
0x4f: {  	_ =	shalt  }
0x50: {  	_ =	shalt  }
0x51: {  	_ =	shalt  }
0x52: {  	_ =	shalt  }
0x53: {  	_ =	shalt  }
0x54: {  	_ =	shalt  }
0x55: {  	_ =	shalt  }
0x56: {  	_ =	shalt  }
0x57: {  	_ =	shalt  }
0x58: {  	_ =	shalt  }
0x59: {  	_ =	shalt  }
0x5a: {  	_ =	shalt  }
0x5b: {  	_ =	shalt  }
0x5c: {  	_ =	shalt  }
0x5d: {  	_ =	shalt  }
0x5e: {  	_ =	shalt  }
0x5f: {  	_ =	shalt  }
0x60: {  	_ =	shalt  }
0x61: {  	_ =	shalt  }
0x62: {  	_ =	shalt  }
0x63: {  	_ =	shalt  }
0x64: {  	_ =	shalt  }
0x65: {  	_ =	shalt  }
0x66: {  	_ =	shalt  }
0x67: {  	_ =	shalt  }
0x68: {  	_ =	shalt  }
0x69: {  	_ =	shalt  }
0x6a: {  	_ =	shalt  }
0x6b: {  	_ =	shalt  }
0x6c: {  	_ =	shalt  }
0x6d: {  	_ =	shalt  }
0x6e: {  	_ =	shalt  }
0x6f: {  	_ =	shalt  }
0x70: {  	_ =	shalt  }
0x71: {  	_ =	shalt  }
0x72: {  	_ =	shalt  }
0x73: {  	_ =	shalt  }
0x74: {  	_ =	shalt  }
0x75: {  	_ =	shalt  }
0x76: {  	_ =	shalt  }
0x77: {  	_ =	shalt  }
0x78: {  	_ =	shalt  }
0x79: {  	_ =	shalt  }
0x7a: {  	_ =	shalt  }
0x7b: {  	_ =	shalt  }
0x7c: {  	_ =	shalt  }
0x7d: {  	_ =	shalt  }
0x7e: {  	_ =	shalt  }
0x7f: {  	_ =	shalt  }
0x80: {  	_ =	shalt  }
0x81: {  	_ =	shalt  }
0x82: {  	_ =	shalt  }
0x83: {  	_ =	shalt  }
0x84: {  	_ =	shalt  }
0x85: {  	_ =	shalt  }
0x86: {  	_ =	shalt  }
0x87: {  	_ =	shalt  }
.Lfunc_end0:
.L_simem_size_0:
called_computation_lowered:
.L_overlay_start_0:
0x88: {  	s2 =	sld [smem:$0x3FD9]  }
0x89: {  	s3 =	sld [smem:$0x3FFE];
	_ =	sdelay $0x1  }
0x8a: {  	s1 =	srdreg.scid  }
0x8b: {  	s0 =	sand.u32 $0x1, s1  }
0x8c: {  	s17 =	sshll.u32 s0, $0xA;
	s2 =	sadd.s32 s3, s2  }
0x8d: {  	s2 =	sadd.s32 s2, s17  }
0x8e: {  	[smem:$0x3FC5] =	sst s2  }
0x8f: {  	_ = 	snop  }
0x90: {  	s2 =	sld [smem:$0x3FD0];
	(tm) =	ssettm $0x1  }
0x91: {  	s18 =	sld [smem:$0x3FFB];
	_ =	sdelay $0x3  }
0x92: {  	_ =	strace s18  }
0x93: {  	s3 =	sld [smem:$0x3FFC];
	_ =	sdelay $0x3  }
0x94: {  	_ =	strace s3  }
0x95: {  	s3 =	sld [smem:$0x3FFD];
	_ =	sdelay $0x3  }
0x96: {  	_ =	strace s3  }
0x97: {  	_ =	strace $0x8FFFFFFF  }
0x98: {  	s19 =	sld [smem:$0x3FDB];
	_ =	sdelay $0x1  }
0x99: {  	s4 =	simm.s32 $_scs_section_size  }
0x9a: {  	s5 =	simm.s32 $_size__tile_overlayer_lowered;
	s6 =	simm.s32 $_tile_overlayer_lowered  }
0x9b: {  	s22 =	simm.s32 $0x1BFF;
	s21 =	sshll.u32 s6, $0x1;
	s3 =	sadd.s32 s4, s19  }
0x9c: {  	s7 =	simm.s32 $0x0;
	s20 =	sshll.u32 s5, $0x1;
	s5 =	sadd.s32 s21, s3  }
0x9d: {  	[timem:s7], [sflag:s22] =	dma.local [hbm:s5], s20  }
0x9e: {  	_ =	swait.ge [sflag:s22], s20  }
0x9f: {  	s4 =	ssub.s32 $0x0, s20;
	[sflag:s22] =	ssyncset.done $0x0  }
0xa0: {  	[sflag:s22] =	ssyncadd.s32 s4;
	_ =	sdelay $0x1  }
0xa1: {  	s23 =	simm.s32 $0x1B8B  }
0xa2: {  	_ =	swait.ge [sflag:s23], $0x1  }
0xa3: {  	[sflag:s23] =	ssyncset.done $0x0  }
0xa4: {  	s25 =	simm.s32 $0x1B8E;
	s24 =	sld [smem:$0x3FFE];
	[sflag:s23] =	ssyncadd.s32 $0xFFFFFFFF  }
0xa5: {  	s26 =	simm.s32 $execute0_lowered;
	[smem:$0x3FD2] =	sst s25  }
0xa6: {  	s5 =	sshll.u32 s26, $0x1;
	_ =	strace $0x80000046;
	[dreg:$0x1] =	wrdreg $0xFFFFFFFF  }
0xa7: {  	s28 =	simm.s32 $_size_execute0_lowered;
	s3 =	sadd.s32 s3, s5;
	[dreg:$0x0] =	wrdreg $0x0  }
0xa8: {  	s5 =	sshll.u32 s28, $0x1;
	[dreg:$0x2] =	wrdreg s3  }
0xa9: {  	[dreg:$0x3] =	wrdreg s5  }
0xaa: {  	[dreg:$0x4] =	wrdreg $0xC0  }
0xab: {  	_ =	task [dreg:s7], $0x5FFFF  }
0xac: {  	[dreg:$0x1] =	wrdreg $0xFFFFFFFF  }
0xad: {  	[dreg:$0x0] =	wrdreg $0x60  }
0xae: {  	[dreg:$0x2] =	wrdreg s24  }
0xaf: {  	[dreg:$0x3] =	wrdreg s2  }
0xb0: {  	[dreg:$0x4] =	wrdreg $0x9  }
0xb1: {  	_ =	task.clear_ibuf [dreg:s7], $0x5FFFF;
	_ =	strace $0x90000046  }
0xb2: {  	s29 =	simm.s32 $0x9;
	_ =	strace $0x80000048  }
0xb3: {  	_ =	swait.ge [sflag:s29], $0x1  }
0xb4: {  	[sflag:s29] =	ssyncadd.s32 $0xFFFFFFFF  }
0xb5: {  	_ =	strace $0x90000048  }
0xb6: {  	_ =	sfence  }
0xb7: {  	s30 =	sld [smem:$0x0];
	_ =	sdelay $0x2  }
0xb8: {  	s31 =	sshll.u32 s1, $0xD;
	s1 =	sshrl.u32 s1, $0x2  }
0xb9: {  	s3 =	sand.u32 $0x4000, s31;
	s1 =	sadd.s32 s1, s30  }
0xba: {  	s0 =	sor.u32 s3, s0;
	s1 =	sshll.u32 s1, $0x11  }
0xbb: {  	s0 =	sor.u32 s1, s0  }
0xbc: {  	s0 =	sadd.s32 $0x8F2B, s0  }
0xbd: {  	[sflag:s0] =	ssyncadd.remote.s32 $0x1  }
0xbe: {  	_ =	sfence.sel $0xFFFF  }
0xbf: {  	[dreg:$0x0] =	wrdreg $0xFFFFFFFF;
	(pc) =	sbr.abs _section_cstart, $3  }
0xc0: {  	[dreg:$0x1] =	wrdreg $0xFFFFFFFF  }
0xc1: {  	_ =	task.clear_ibuf [dreg:s7], $0x2FFFF;
	_ =	strace $0x9FFFFFFF  }
0xc2: {  	(tm) =	ssettm $0x7FFFFFFF  }
0xc3: {  	_ =	shalt  }
tec
execute0_lowered:
.L_overlay_start_1:
0x0: {  	(tag) =	ssettag $0x1  }
0x1: {  	s3 =	rddreg [dreg:$0x0]  }
0x2: {  	s4 =	rddreg [dreg:$0x1]  }
0x3: {  	s0 =	rddreg [dreg:$0x2];
	s5 =	srdreg.scid  }
0x4: {  	s2 =	simm.s32 $0x0;
	s1 =	stileid.u32;
	s8 =	simm.s32 $0x0  }
0x5: {  	s5 =	sand.u32 $0x1, s5;
	s6 =	sshll.u32 s1, $0x9;
	[smem:$0x7FF] =	sst s2  }
0x6: {  	s7 =	sshll.u32 s5, $0x8;
	s5 =	ssub.s32 $0x2, s5;
	_ =	strace $0x80000047  }
0x7: {  	s6 =	sor.u32 s7, s6;
	s31 =	sshrl.u32 s5, $0x1;
	s7 =	simm.s32 $0x800  }
0x8: {  	s3 =	sadd.s32 s6, s3;
	s5 =	ssub.s32 s5, s31;
	s4 =	sadd.s32 s4, s6  }
0x9: {  	v0 =	vimm.s32 $0x8;
	v1 =	vlaneseq.u32;
	v2 =	vimm.f32 $0.0e+00;
	s6 =	simm.s32 $0x1;
	s3 =	sadd.s32 $0x1C00, s3;
	s5 =	smax.u32 s5, $0x1  }
.LBB2_1:
0xa: {  	[tilespmem:s2], [sflag:$0x1] =	stream.linear.gather [hbm4b:s3+s2], $0x800, $0x38;
	[tilespmem:$0x1000] =	vst v63  }
0xb: {  	s9 =	sand.u32 $0xFFFFFC00, s2;
	_ =	swait.ge [sflag:s6], $0x800  }
0xc: {  	s29 =	sand.u32 $0x70, s2;
	s10 =	sadd.s32 $0x0, s9;
	[sflag:s6] =	ssyncset.done $0x0  }
0xd: {  	s11 =	sand.u32 $0x400, s2;
	s13 =	sor.u32 $0x80, s10;
	[sflag:s6] =	ssyncadd.s32 $0xFFFFF800  }
0xe: {  	s9 =	sor.u32 s29, s11;
	v3 =	vld [tilespmem:s13+$0x0]  }
0xf: {  	v4 =	vld [tilespmem:s9+$0x0]  }
0x10: {  	s12 =	sor.u32 $0x180, s10;
	v5 =	vld [tilespmem:s9+$0x100]  }
0x11: {  	v6 =	vld [tilespmem:s12+$0x0]  }
0x12: {  	s30 =	sor.u32 $0x280, s10;
	v7 =	vld [tilespmem:s9+$0x200]  }
0x13: {  	s31 =	sor.u32 s2, s2;
	v8 =	vld [tilespmem:s30+$0x0]  }
0x14: {  	s10 =	sor.u32 $0x380, s31;
	v9 =	vld [tilespmem:s9+$0x300];
	v10 =	vmax.f32 v4, v3  }
0x15: {  	v11 =	vld [tilespmem:s10+$0x0];
	v10 =	vmax.f32 v10, v5  }
0x16: {  	v10 =	vmax.f32 v10, v6  }
0x17: {  	v10 =	vmax.f32 v10, v7  }
0x18: {  	v10 =	vmax.f32 v10, v8  }
0x19: {  	v10 =	vmax.f32 v10, v9  }
0x1a: {  	v10 =	vmax.f32 v10, v11  }
0x1b: {  	v12 =	vsub.f32 v4, v10  }
0x1c: {  	v13 =	vsub.f32 v3, v10  }
0x1d: {  	v12 =	vmul.f32 $1.442695020e+00, v12  }
0x1e: {  	v14 =	vsub.f32 v5, v10;
	v13 =	vmul.f32 $1.442695020e+00, v13  }
0x1f: {  	(erf) = vpow2.f32 v12  }
0x20: {  	v50 =	vsub.f32 v6, v10;
	v14 =	vmul.f32 $1.442695020e+00, v14;
	(erf) = vpow2.f32 v13;
	_ =	sdelay $0x1  }
0x21: {  	v51 =	vsub.f32 v7, v10;
	v12 =	vmul.f32 $1.442695020e+00, v50;
	(erf) = vpow2.f32 v14;
	_ =	sdelay $0x1  }
0x22: {  	v52 =	vsub.f32 v8, v10;
	v13 =	vmul.f32 $1.442695020e+00, v51;
	(erf) = vpow2.f32 v12;
	_ =	sdelay $0x1  }
0x23: {  	v53 =	vsub.f32 v9, v10;
	v14 =	vmul.f32 $1.442695020e+00, v52;
	(erf) = vpow2.f32 v13;
	_ =	sdelay $0x1  }
0x24: {  	v54 =	vsub.f32 v11, v10;
	v12 =	vmul.f32 $1.442695020e+00, v53;
	v15 =	vpop (erf);
	(erf) = vpow2.f32 v14  }
0x25: {  	vm0 =	veq.f32 v11, v10;
	v55 =	vpop (erf)  }
0x26: {  	v13 =	vmul.f32 $1.442695020e+00, v54;
	(erf) = vpow2.f32 v12;
	v14 =	vadd.f32 v55, v15  }
0x27: {  	vm1 =	veq.f32 v9, v10;
	vm10 =	veq.f32 v8, v10;
	v58 =	vsel vm0, $0x7, v0;
	v56 =	vpop (erf)  }
0x28: {  	v60 =	vsel vm1, $0x6, v58;
	(erf) = vpow2.f32 v13;
	v57 =	vadd.f32 v14, v56  }
0x29: {  	vm11 =	veq.f32 v7, v10;
	v7 =	vsel vm10, $0x5, v60;
	v59 =	vpop (erf)  }
0x2a: {  	vm12 =	veq.f32 v6, v10;
	v6 =	vsel vm11, $0x4, v7;
	v61 =	vadd.f32 v57, v59  }
0x2b: {  	v62 =	vpop (erf)  }
0x2c: {  	v7 =	vadd.f32 v61, v62  }
0x2d: {  	vm13 =	veq.f32 v5, v10;
	v5 =	vsel vm12, $0x3, v6;
	v6 =	vpop (erf)  }
0x2e: {  	[tilespmem:s9+$0x800] =	vst v2;
	vm14 =	veq.f32 v3, v10;
	v3 =	vsel vm13, $0x2, v5;
	v5 =	vadd.f32 v7, v6  }
0x2f: {  	[tilespmem:s13+$0x800] =	vst v2;
	vm15 =	veq.f32 v4, v10;
	v4 =	vpop (erf)  }
0x30: {  	[tilespmem:s9+$0x900] =	vst v2;
	v3 =	vsel vm14, $0x1, v3;
	v4 =	vadd.f32 v5, v4  }
0x31: {  	[tilespmem:s12+$0x800] =	vst v2;
	v3 =	vsel vm15, $0x0, v3;
	v6 =	vmov s2;
	v63 =	vpop (erf)  }
0x32: {  	[tilespmem:s9+$0xA00] =	vst v2;
	v6 =	vshll.u32 v6, $0x3;
	v5 =	vor.u32 s2, v1;
	v8 =	vadd.f32 v4, v63  }
0x33: {  	[tilespmem:s30+$0x800] =	vst v2;
	v7 =	vshll.u32 v3, $0x8;
	v6 =	vand.u32 $0x400, v6;
	v5 =	vand.u32 $0x7F, v5  }
0x34: {  	[tilespmem:s9+$0xB00] =	vst v2;
	v4 =	vand.u32 $0x7FFFF800, v7;
	v5 =	vor.u32 v6, v5;
	(erf) = vrcp.f32 v8  }
0x35: {  	s11 =	simm.s32 $0x20;
	s9 =	simm.s32 $0x10;
	[tilespmem:s10+$0x800] =	vst v2;
	s10 =	simm.s32 $0x80;
	v3 =	vshll.u32 v3, $0x7;
	v4 =	vor.u32 v4, v5  }
.LBB2_2:
0x36: {  	p0 =	sne.s32 s11, $0xF0  }
0x37: {  	s13 =	sand.u32 $0xFFFFFC00, s10;
	s12 =	smov.u32 s11;
	s11 =	sadd.s32 $0x10, s11  }
0x38: {  	v3 =	vand.u32 $0x380, v3;
	s13 =	sadd.s32 s13, s9  }
0x39: {  	v3 =	vor.u32 v3, v4;
	s14 =	sor.u32 $0x80, s13;
	s15 =	sor.u32 $0x180, s13;
	s13 =	sor.u32 $0x280, s13  }
0x3a: {  	_ =	sdelay $0x2  }
0x3b: {  	v4 =	vpop (erf)  }
0x3c: {  	s16 =	sand.u32 $0x70, s9;
	s17 =	sand.u32 $0x400, s10;
	[tilespmem:v3+s7+$0x0] =	vst.idx.msk $0xffff, v4  }
0x3d: {  	s16 =	sor.u32 s16, s17;
	v3 =	vld [tilespmem:s14+$0x0]  }
0x3e: {  	v4 =	vld [tilespmem:s16+$0x0]  }
0x3f: {  	v5 =	vld [tilespmem:s16+$0x100]  }
0x40: {  	v6 =	vld [tilespmem:s15+$0x0]  }
0x41: {  	v7 =	vld [tilespmem:s16+$0x200]  }
0x42: {  	s17 =	sor.u32 s10, s9;
	v8 =	vld [tilespmem:s13+$0x0]  }
0x43: {  	s17 =	sor.u32 $0x380, s17;
	v9 =	vld [tilespmem:s16+$0x300];
	v10 =	vmax.f32 v4, v3  }
0x44: {  	v11 =	vld [tilespmem:s17+$0x0];
	v10 =	vmax.f32 v10, v5  }
0x45: {  	v10 =	vmax.f32 v10, v6;
	[tilespmem:s16+$0x800] =	vst v2  }
0x46: {  	v10 =	vmax.f32 v10, v7;
	[tilespmem:s14+$0x800] =	vst v2  }
0x47: {  	v10 =	vmax.f32 v10, v8;
	[tilespmem:s16+$0x900] =	vst v2  }
0x48: {  	v10 =	vmax.f32 v10, v9;
	[tilespmem:s15+$0x800] =	vst v2  }
0x49: {  	v10 =	vmax.f32 v10, v11;
	[tilespmem:s16+$0xA00] =	vst v2  }
0x4a: {  	v12 =	vsub.f32 v4, v10;
	v13 =	vsub.f32 v6, v10;
	vm0 =	veq.f32 v7, v10;
	[tilespmem:s13+$0x800] =	vst v2  }
0x4b: {  	v14 =	vsub.f32 v3, v10;
	v15 =	vsub.f32 v5, v10;
	vm1 =	veq.f32 v9, v10;
	[tilespmem:s16+$0xB00] =	vst v2  }
0x4c: {  	vm2 =	veq.f32 v11, v10;
	v12 =	vmul.f32 $1.442695020e+00, v12;
	v13 =	vmul.f32 $1.442695020e+00, v13;
	[tilespmem:s17+$0x800] =	vst v2  }
0x4d: {  	v16 =	vsub.f32 v8, v10;
	v14 =	vmul.f32 $1.442695020e+00, v14;
	v15 =	vmul.f32 $1.442695020e+00, v15  }
0x4e: {  	v7 =	vsub.f32 v7, v10;
	v9 =	vsub.f32 v9, v10;
	(erf) = vpow2.f32 v12  }
0x4f: {  	v11 =	vsub.f32 v11, v10;
	v12 =	vmul.f32 $1.442695020e+00, v16;
	(erf) = vpow2.f32 v14  }
0x50: {  	v7 =	vmul.f32 $1.442695020e+00, v7;
	v9 =	vmul.f32 $1.442695020e+00, v9;
	v14 =	vsel vm2, $0x7, v0  }
0x51: {  	vm2 =	veq.f32 v8, v10;
	v8 =	vmul.f32 $1.442695020e+00, v11;
	(erf) = vpow2.f32 v15  }
0x52: {  	vm3 =	veq.f32 v6, v10;
	v6 =	vsel vm1, $0x6, v14  }
0x53: {  	vm4 =	veq.f32 v5, v10;
	vm1 =	veq.f32 v3, v10;
	(erf) = vpow2.f32 v13  }
0x54: {  	vm5 =	veq.f32 v4, v10;
	v3 =	vsel vm2, $0x5, v6  }
0x55: {  	v3 =	vsel vm0, $0x4, v3;
	(erf) = vpow2.f32 v7  }
0x56: {  	v3 =	vsel vm3, $0x3, v3  }
0x57: {  	v3 =	vsel vm4, $0x2, v3;
	v4 =	vpop (erf);
	(erf) = vpow2.f32 v12  }
0x58: {  	v5 =	vmov s9;
	v6 =	vor.u32 s9, v1;
	s9 =	smov.u32 s12;
	v3 =	vsel vm1, $0x1, v3;
	v7 =	vpop (erf)  }
0x59: {  	v3 =	vsel vm5, $0x0, v3;
	v4 =	vadd.f32 v7, v4;
	(erf) = vpow2.f32 v9  }
0x5a: {  	v5 =	vshll.u32 v5, $0x3;
	v7 =	vshll.u32 v3, $0x8;
	v3 =	vshll.u32 v3, $0x7;
	v9 =	vpop (erf)  }
0x5b: {  	v7 =	vand.u32 $0x7FFFF800, v7;
	v4 =	vadd.f32 v4, v9;
	(erf) = vpow2.f32 v8  }
0x5c: {  	v6 =	vand.u32 $0x7F, v6;
	v9 =	vand.u32 $0x400, v5;
	v8 =	vpop (erf)  }
0x5d: {  	v8 =	vadd.f32 v4, v8;
	v4 =	vor.u32 v9, v6  }
0x5e: {  	v4 =	vor.u32 v7, v4;
	v5 =	vpop (erf)  }
0x5f: {  	v5 =	vadd.f32 v8, v5  }
0x60: {  	v6 =	vpop (erf)  }
0x61: {  	v5 =	vadd.f32 v5, v6  }
0x62: {  	v6 =	vpop (erf)  }
0x63: {  	v5 =	vadd.f32 v5, v6  }
0x64: {  	v6 =	vpop (erf)  }
.Ltmp0:
0x65: {  	v5 =	vadd.f32 v5, v6;
	(pc) =	sbr.rel @p0 .LBB2_2-.Ltmp0, $3  }
0x66: {  	_ = 	snop  }
0x67: {  	(erf) = vrcp.f32 v5;
	_ =	sdelay $0x1  }
0x68: {  	s10 =	sadd.s32 $0x80, s10  }
0x69: {  	_ = 	snop  }
0x6a: {  	v3 =	vand.u32 $0x380, v3  }
0x6b: {  	v3 =	vor.u32 v3, v4;
	_ =	sdelay $0x2  }
0x6c: {  	s11 =	sand.u32 $0xFFFFFC00, s10  }
0x6d: {  	s14 =	sadd.s32 s11, s9;
	v40 =	vpop (erf)  }
0x6e: {  	s29 =	sand.u32 $0x70, s9;
	s13 =	sand.u32 $0x400, s10;
	s12 =	sor.u32 $0x80, s14;
	[tilespmem:v3+s7+$0x0] =	vst.idx.msk $0xffff, v40  }
0x6f: {  	s11 =	sor.u32 s29, s13;
	v3 =	vld [tilespmem:s12+$0x0]  }
0x70: {  	v4 =	vld [tilespmem:s11+$0x0]  }
0x71: {  	s30 =	sor.u32 $0x180, s14;
	v5 =	vld [tilespmem:s11+$0x100]  }
0x72: {  	v6 =	vld [tilespmem:s30+$0x0]  }
0x73: {  	s14 =	sor.u32 $0x280, s14;
	v7 =	vld [tilespmem:s11+$0x200]  }
0x74: {  	s31 =	sor.u32 s10, s9;
	v8 =	vld [tilespmem:s14+$0x0]  }
0x75: {  	s10 =	sor.u32 $0x380, s31;
	v9 =	vld [tilespmem:s11+$0x300];
	v10 =	vmax.f32 v4, v3  }
0x76: {  	v11 =	vld [tilespmem:s10+$0x0];
	v10 =	vmax.f32 v10, v5  }
0x77: {  	v10 =	vmax.f32 v10, v6  }
0x78: {  	v10 =	vmax.f32 v10, v7  }
0x79: {  	v10 =	vmax.f32 v10, v8  }
0x7a: {  	v10 =	vmax.f32 v10, v9  }
0x7b: {  	v10 =	vmax.f32 v10, v11  }
0x7c: {  	v12 =	vsub.f32 v4, v10  }
0x7d: {  	v13 =	vsub.f32 v3, v10  }
0x7e: {  	v12 =	vmul.f32 $1.442695020e+00, v12  }
0x7f: {  	v14 =	vsub.f32 v5, v10;
	v13 =	vmul.f32 $1.442695020e+00, v13  }
0x80: {  	(erf) = vpow2.f32 v12  }
0x81: {  	v41 =	vsub.f32 v6, v10;
	v14 =	vmul.f32 $1.442695020e+00, v14;
	(erf) = vpow2.f32 v13;
	_ =	sdelay $0x1  }
0x82: {  	v42 =	vsub.f32 v7, v10;
	v12 =	vmul.f32 $1.442695020e+00, v41;
	(erf) = vpow2.f32 v14;
	_ =	sdelay $0x1  }
0x83: {  	v43 =	vsub.f32 v8, v10;
	v13 =	vmul.f32 $1.442695020e+00, v42;
	(erf) = vpow2.f32 v12;
	_ =	sdelay $0x1  }
0x84: {  	v44 =	vsub.f32 v9, v10;
	v14 =	vmul.f32 $1.442695020e+00, v43;
	(erf) = vpow2.f32 v13;
	_ =	sdelay $0x1  }
0x85: {  	v45 =	vsub.f32 v11, v10;
	v12 =	vmul.f32 $1.442695020e+00, v44;
	v15 =	vpop (erf);
	(erf) = vpow2.f32 v14  }
0x86: {  	v46 =	vpop (erf)  }
0x87: {  	v13 =	vmul.f32 $1.442695020e+00, v45;
	(erf) = vpow2.f32 v12;
	v14 =	vadd.f32 v46, v15  }
0x88: {  	v47 =	vpop (erf)  }
0x89: {  	(erf) = vpow2.f32 v13;
	v12 =	vadd.f32 v14, v47  }
0x8a: {  	v48 =	vpop (erf)  }
0x8b: {  	v12 =	vadd.f32 v12, v48  }
0x8c: {  	v49 =	vpop (erf)  }
0x8d: {  	v12 =	vadd.f32 v12, v49  }
0x8e: {  	vm0 =	veq.f32 v11, v10;
	v50 =	vpop (erf)  }
0x8f: {  	vm1 =	veq.f32 v9, v10;
	v51 =	vsel vm0, $0x7, v0;
	v11 =	vadd.f32 v12, v50  }
0x90: {  	vm11 =	veq.f32 v8, v10;
	v52 =	vsel vm1, $0x6, v51;
	v53 =	vpop (erf)  }
0x91: {  	vm12 =	veq.f32 v7, v10;
	v54 =	vsel vm11, $0x5, v52;
	v55 =	vadd.f32 v11, v53  }
0x92: {  	vm13 =	veq.f32 v6, v10;
	v56 =	vsel vm12, $0x4, v54;
	v57 =	vpop (erf)  }
0x93: {  	vm14 =	veq.f32 v5, v10;
	v58 =	vsel vm13, $0x3, v56;
	v59 =	vadd.f32 v55, v57  }
0x94: {  	v60 =	vmov s9;
	vm15 =	veq.f32 v3, v10;
	v3 =	vsel vm14, $0x2, v58  }
0x95: {  	vm2 =	veq.f32 v4, v10;
	v3 =	vsel vm15, $0x1, v3;
	(erf) = vrcp.f32 v59  }
0x96: {  	v61 =	vor.u32 s9, v1;
	v4 =	vshll.u32 v60, $0x3;
	v3 =	vsel vm2, $0x0, v3  }
0x97: {  	[tilespmem:s11+$0x800] =	vst v2;
	v5 =	vand.u32 $0x7F, v61;
	v4 =	vand.u32 $0x400, v4;
	v62 =	vshll.u32 v3, $0x8  }
0x98: {  	[tilespmem:s12+$0x800] =	vst v2;
	v4 =	vor.u32 v4, v5;
	v3 =	vshll.u32 v3, $0x7;
	v6 =	vand.u32 $0x7FFFF800, v62  }
0x99: {  	[tilespmem:s11+$0x900] =	vst v2;
	v3 =	vand.u32 $0x380, v3;
	v4 =	vor.u32 v6, v4  }
0x9a: {  	[tilespmem:s30+$0x800] =	vst v2;
	v3 =	vor.u32 v3, v4  }
0x9b: {  	[tilespmem:s11+$0xA00] =	vst v2  }
0x9c: {  	[tilespmem:s14+$0x800] =	vst v2  }
0x9d: {  	s8 =	sadd.s32 $0x1, s8;
	[tilespmem:s11+$0xB00] =	vst v2  }
0x9e: {  	p0 =	sne.s32 s8, s5;
	[tilespmem:s10+$0x800] =	vst v2;
	v63 =	vpop (erf)  }
.Ltmp1:
0x9f: {  	[tilespmem:v3+s7+$0x0] =	vst.idx.msk $0xffff, v63;
	(pc) =	sbr.rel @p0 .LBB2_1-.Ltmp1, $4  }
0xa0: {  	[hbm4b:s4+s2] =	stream.linear.scatter [tilespmem:s7], [sflag:$0x1], $0x800, $0x38;
	[tilespmem:$0x1000] =	vst v63  }
0xa1: {  	_ =	swait.ge [sflag:s6], $0x800  }
0xa2: {  	[sflag:s6] =	ssyncset.done $0x0  }
0xa3: {  	[sflag:s6] =	ssyncadd.s32 $0xFFFFF800  }
0xa4: {  	_ =	sfence.sel $0x180000  }
0xa5: {  	[bflag:$0x0] =	sbarrier.arrive $0xFFFF  }
0xa6: {  	p0 =	sne.s32 s1, $0x0;
	_ =	strace $0x90000047  }
0xa7: {  	s0 =	sadd.s32 @!p0 $0x100000, s0;
	[bflag:$0x2] =	sbarrier.arrive $0xFFFF  }
0xa8: {  	[sflag:s0] =	ssyncadd.tile.s32 @!p0 $0x1;
	_ =	shalt  }
.Lfunc_end2:
_tile_overlayer_lowered:
.L_overlay_start_2:
0xa9: {  	(tag) =	ssettag $0x2  }
0xaa: {  	s0 =	rddreg [dreg:$0x0];
	s2 =	stileid.u32  }
0xab: {  	s1 =	rddreg [dreg:$0x1];
	p0 =	sne.s32 s2, $0x0  }
0xac: {  	s3 =	rddreg [dreg:$0x2];
	[bflag:$0x3] =	sbarrier.arrive $0xFFFF;
	s2 =	simm.s32 @!p0 $0x1C01  }
0xad: {  	[timem:s3], [sflag:s2] =	dma.local @!p0 [hbm:s0], s1  }
0xae: {  	s0 =	simm.s32 @!p0 $0x1  }
0xaf: {  	_ =	swait.ge @!p0 [sflag:s0], s1  }
0xb0: {  	s1 =	ssub.s32 @!p0 $0x0, s1;
	[sflag:s0] =	ssyncset.done @!p0 $0x0  }
0xb1: {  	[sflag:s0] =	ssyncadd.s32 @!p0 s1  }
0xb2: {  	[bflag:$0x3] =	sbarrier.arrive $0xFFFF  }
0xb3: {  	_ =	shalt  }

// kernel: kernel.13.cloned.1.call-start
scs
__scs_entry_jumppad:
0x0: {  	(pc) =	sbr.rel $0x88, $3  }
0x1: {  	(tag) =	ssettag $0x0;
	lr =	simm.s32 $0x1  }
0x2: {  	[smem:$0x3F9E] =	sst lr;
	_ =	strace $0xD0000000  }
0x3: {  	_ = 	snop  }
0x4: {  	_ = 	snop  }
0x5: {  	_ = 	snop  }
0x6: {  	_ = 	snop  }
0x7: {  	_ = 	snop  }
__scs_overlays_trampoline_lowered:
0x8: {  	[smem:$0x3FAD] =	sst s0  }
0x9: {  	[smem:$0x3FAE] =	sst s1  }
0xa: {  	[smem:$0x3FAF] =	sst s2  }
0xb: {  	[smem:$0x3FB0] =	sst s3  }
0xc: {  	[smem:$0x3FB1] =	sst s4  }
0xd: {  	[smem:$0x3FB2] =	sst s5  }
0xe: {  	[smem:$0x3FB3] =	sst s6  }
0xf: {  	[smem:$0x3FB4] =	sst s7  }
0x10: {  	[smem:$0x3FB5] =	sst s8  }
0x11: {  	[smem:$0x3FB6] =	sst s9;
	s0 =	simm.s32 @!p0 $0x0  }
0x12: {  	s1 =	sld [smem:$0x3F9C];
	s0 =	simm.s32 @p0 $0x1  }
0x13: {  	[smem:$0x3FB7] =	sst s0;
	s0 =	simm.s32 @!p1 $0x0  }
0x14: {  	s2 =	sld [smem:$0x3F9B];
	s0 =	simm.s32 @p1 $0x1  }
0x15: {  	[smem:$0x3FB8] =	sst s0;
	s0 =	simm.s32 @!p2 $0x0  }
0x16: {  	s3 =	sld [smem:$0x3FDB];
	s0 =	simm.s32 @p2 $0x1  }
0x17: {  	s4 =	simm.s32 $0x1BF5;
	[smem:$0x3FBA] =	sst s0  }
0x18: {  	s0 =	sld [smem:$0x3F9D];
	_ =	swait.ge [sflag:s4], $0x0  }
0x19: {  	s7 =	sld [smem:$0x3F9E]  }
0x1a: {  	s8 =	sadd.s32 $0xFFFFE003, lr  }
0x1b: {  	s9 =	sadd.s32 $0xFFFFFEF7, lr;
	s5 =	simm.s32 $0xFFFFFFFF;
	p2 =	slt.u32 s8, $0xFFFFF086  }
0x1c: {  	p1 =	slt.u32 s9, $0xF7A;
	s5 =	simm.s32 @!p2 $0x0  }
0x1d: {  	s5 =	simm.s32 @p1 $0x1;
	p0 =	seq.s32 s7, s2  }
0x1e: {  	s7 =	smul.u32 @!p0 $0xF7A, s2;
	p2 =	seq.s32 @!p0 s5, $0x0  }
0x1f: {  	s9 =	smul.u32 $0xF7A, s1;
	s8 =	simm.s32 @!p0 $0x1BF5;
	p2 =	por !p2, p0  }
0x20: {  	[sflag:s8] =	ssyncset.s32 @!p0 $0xFFFFF086;
	s6 =	sadd.s32 @!p0 s3, s7;
	s7 =	simm.s32 @!p0 $0x108  }
0x21: {  	s3 =	sadd.s32 s3, s9;
	s6 =	sadd.s32 @!p0 $0x88, s6;
	s7 =	simm.s32 @p2 $0x1082  }
0x22: {  	[simem:s7], [sflag:s8] =	dma.local @!p0 [hbm:s6], $0xF7A  }
0x23: {  	s9 =	sor.u32 $0xD0000000, s2;
	s6 =	simm.s32 $0x108;
	_ =	swait.ge @!p0 [sflag:s8], $0x0  }
0x24: {  	s3 =	sadd.s32 $0x88, s3;
	s6 =	simm.s32 @!p1 $0x1082;
	[sflag:s4] =	ssyncset.s32 $0xFFFFF086  }
0x25: {  	[simem:s6], [sflag:s4] =	dma.local [hbm:s3], $0xF7A  }
0x26: {  	[smem:$0x3F9E] =	sst s1;
	(tag) =	ssettag s2;
	_ =	strace s9  }
0x27: {  	s1 =	sld [smem:$0x3FAE]  }
0x28: {  	s2 =	sld [smem:$0x3FAF]  }
0x29: {  	s4 =	sld [smem:$0x3FB1]  }
0x2a: {  	p0 =	seq.s32 s5, $0x0;
	s5 =	sld [smem:$0x3FB2]  }
0x2b: {  	s6 =	sld [smem:$0x3FB3]  }
0x2c: {  	s7 =	sld [smem:$0x3FB4]  }
0x2d: {  	s3 =	simm.s32 $0x108;
	s8 =	sld [smem:$0x3FB5]  }
0x2e: {  	s3 =	simm.s32 @!p0 $0x1082;
	s9 =	sld [smem:$0x3FB6]  }
0x2f: {  	lr =	sadd.s32 s0, s3;
	s0 =	sld [smem:$0x3FAD]  }
0x30: {  	s3 =	sld [smem:$0x3FB0]  }
0x31: {  	[smem:$0x3FB9] =	sst s10  }
0x32: {  	s10 =	sld [smem:$0x3FB7];
	_ =	sdelay $0x3  }
0x33: {  	p0 =	seq.s32 s10, $0x1;
	s10 =	sld [smem:$0x3FB9];
	_ =	sdelay $0x3  }
0x34: {  	[smem:$0x3FB9] =	sst s10  }
0x35: {  	s10 =	sld [smem:$0x3FB8];
	_ =	sdelay $0x3  }
0x36: {  	p1 =	seq.s32 s10, $0x1;
	s10 =	sld [smem:$0x3FB9];
	_ =	sdelay $0x3  }
0x37: {  	[smem:$0x3FB9] =	sst s10  }
0x38: {  	s10 =	sld [smem:$0x3FBA]  }
0x39: {  	_ = 	snop;
	(pc) =	sbr.ind lr, $3  }
0x3a: {  	_ = 	snop  }
0x3b: {  	_ = 	snop  }
0x3c: {  	p2 =	seq.s32 s10, $0x1;
	s10 =	sld [smem:$0x3FB9]  }
0x3d: {  	_ =	shalt  }
0x3e: {  	_ =	shalt  }
0x3f: {  	_ =	shalt  }
0x40: {  	_ =	shalt  }
0x41: {  	_ =	shalt  }
0x42: {  	_ =	shalt  }
0x43: {  	_ =	shalt  }
0x44: {  	_ =	shalt  }
0x45: {  	_ =	shalt  }
0x46: {  	_ =	shalt  }
0x47: {  	_ =	shalt  }
0x48: {  	_ =	shalt  }
0x49: {  	_ =	shalt  }
0x4a: {  	_ =	shalt  }
0x4b: {  	_ =	shalt  }
0x4c: {  	_ =	shalt  }
0x4d: {  	_ =	shalt  }
0x4e: {  	_ =	shalt  }
0x4f: {  	_ =	shalt  }
0x50: {  	_ =	shalt  }
0x51: {  	_ =	shalt  }
0x52: {  	_ =	shalt  }
0x53: {  	_ =	shalt  }
0x54: {  	_ =	shalt  }
0x55: {  	_ =	shalt  }
0x56: {  	_ =	shalt  }
0x57: {  	_ =	shalt  }
0x58: {  	_ =	shalt  }
0x59: {  	_ =	shalt  }
0x5a: {  	_ =	shalt  }
0x5b: {  	_ =	shalt  }
0x5c: {  	_ =	shalt  }
0x5d: {  	_ =	shalt  }
0x5e: {  	_ =	shalt  }
0x5f: {  	_ =	shalt  }
0x60: {  	_ =	shalt  }
0x61: {  	_ =	shalt  }
0x62: {  	_ =	shalt  }
0x63: {  	_ =	shalt  }
0x64: {  	_ =	shalt  }
0x65: {  	_ =	shalt  }
0x66: {  	_ =	shalt  }
0x67: {  	_ =	shalt  }
0x68: {  	_ =	shalt  }
0x69: {  	_ =	shalt  }
0x6a: {  	_ =	shalt  }
0x6b: {  	_ =	shalt  }
0x6c: {  	_ =	shalt  }
0x6d: {  	_ =	shalt  }
0x6e: {  	_ =	shalt  }
0x6f: {  	_ =	shalt  }
0x70: {  	_ =	shalt  }
0x71: {  	_ =	shalt  }
0x72: {  	_ =	shalt  }
0x73: {  	_ =	shalt  }
0x74: {  	_ =	shalt  }
0x75: {  	_ =	shalt  }
0x76: {  	_ =	shalt  }
0x77: {  	_ =	shalt  }
0x78: {  	_ =	shalt  }
0x79: {  	_ =	shalt  }
0x7a: {  	_ =	shalt  }
0x7b: {  	_ =	shalt  }
0x7c: {  	_ =	shalt  }
0x7d: {  	_ =	shalt  }
0x7e: {  	_ =	shalt  }
0x7f: {  	_ =	shalt  }
0x80: {  	_ =	shalt  }
0x81: {  	_ =	shalt  }
0x82: {  	_ =	shalt  }
0x83: {  	_ =	shalt  }
0x84: {  	_ =	shalt  }
0x85: {  	_ =	shalt  }
0x86: {  	_ =	shalt  }
0x87: {  	_ =	shalt  }
.Lfunc_end0:
.L_simem_size_0:
called_computation.1_lowered:
.L_overlay_start_0:
0x88: {  	s2 =	sld [smem:$0x3FD9]  }
0x89: {  	s3 =	sld [smem:$0x3FFE];
	_ =	sdelay $0x1  }
0x8a: {  	s1 =	srdreg.scid  }
0x8b: {  	s0 =	sand.u32 $0x1, s1  }
0x8c: {  	s17 =	sshll.u32 s0, $0xA;
	s2 =	sadd.s32 s3, s2  }
0x8d: {  	s2 =	sadd.s32 s2, s17  }
0x8e: {  	[smem:$0x3FC5] =	sst s2  }
0x8f: {  	_ = 	snop  }
0x90: {  	s2 =	sld [smem:$0x3FD0];
	(tm) =	ssettm $0x1  }
0x91: {  	s18 =	sld [smem:$0x3FFB];
	_ =	sdelay $0x3  }
0x92: {  	_ =	strace s18  }
0x93: {  	s3 =	sld [smem:$0x3FFC];
	_ =	sdelay $0x3  }
0x94: {  	_ =	strace s3  }
0x95: {  	s3 =	sld [smem:$0x3FFD];
	_ =	sdelay $0x3  }
0x96: {  	_ =	strace s3  }
0x97: {  	_ =	strace $0x8FFFFFFF  }
0x98: {  	s19 =	sld [smem:$0x3FDB];
	_ =	sdelay $0x1  }
0x99: {  	s4 =	simm.s32 $_scs_section_size  }
0x9a: {  	s5 =	simm.s32 $_size__tile_overlayer_lowered;
	s6 =	simm.s32 $_tile_overlayer_lowered  }
0x9b: {  	s22 =	simm.s32 $0x1BFF;
	s21 =	sshll.u32 s6, $0x1;
	s3 =	sadd.s32 s4, s19  }
0x9c: {  	s7 =	simm.s32 $0x0;
	s20 =	sshll.u32 s5, $0x1;
	s5 =	sadd.s32 s21, s3  }
0x9d: {  	[timem:s7], [sflag:s22] =	dma.local [hbm:s5], s20  }
0x9e: {  	_ =	swait.ge [sflag:s22], s20  }
0x9f: {  	s4 =	ssub.s32 $0x0, s20;
	[sflag:s22] =	ssyncset.done $0x0  }
0xa0: {  	[sflag:s22] =	ssyncadd.s32 s4;
	_ =	sdelay $0x1  }
0xa1: {  	s23 =	simm.s32 $0x1B8B  }
0xa2: {  	_ =	swait.ge [sflag:s23], $0x1  }
0xa3: {  	[sflag:s23] =	ssyncset.done $0x0  }
0xa4: {  	s25 =	simm.s32 $0x1B8E;
	s24 =	sld [smem:$0x3FFE];
	[sflag:s23] =	ssyncadd.s32 $0xFFFFFFFF  }
0xa5: {  	s26 =	simm.s32 $execute0_lowered;
	[smem:$0x3FD2] =	sst s25  }
0xa6: {  	s5 =	sshll.u32 s26, $0x1;
	_ =	strace $0x80000049;
	[dreg:$0x1] =	wrdreg $0xFFFFFFFF  }
0xa7: {  	s28 =	simm.s32 $_size_execute0_lowered;
	s3 =	sadd.s32 s3, s5;
	[dreg:$0x0] =	wrdreg $0x0  }
0xa8: {  	s5 =	sshll.u32 s28, $0x1;
	[dreg:$0x2] =	wrdreg s3  }
0xa9: {  	[dreg:$0x3] =	wrdreg s5  }
0xaa: {  	[dreg:$0x4] =	wrdreg $0xC0  }
0xab: {  	_ =	task [dreg:s7], $0x5FFFF  }
0xac: {  	[dreg:$0x1] =	wrdreg $0xFFFFFFFF  }
0xad: {  	[dreg:$0x0] =	wrdreg $0x60  }
0xae: {  	[dreg:$0x2] =	wrdreg s24  }
0xaf: {  	[dreg:$0x3] =	wrdreg s2  }
0xb0: {  	[dreg:$0x4] =	wrdreg $0x9  }
0xb1: {  	_ =	task.clear_ibuf [dreg:s7], $0x5FFFF;
	_ =	strace $0x90000049  }
0xb2: {  	s29 =	simm.s32 $0x9;
	_ =	strace $0x8000004B  }
0xb3: {  	_ =	swait.ge [sflag:s29], $0x1  }
0xb4: {  	[sflag:s29] =	ssyncadd.s32 $0xFFFFFFFF  }
0xb5: {  	_ =	strace $0x9000004B  }
0xb6: {  	_ =	sfence  }
0xb7: {  	s30 =	sld [smem:$0x0];
	_ =	sdelay $0x2  }
0xb8: {  	s31 =	sshll.u32 s1, $0xD;
	s1 =	sshrl.u32 s1, $0x2  }
0xb9: {  	s3 =	sand.u32 $0x4000, s31;
	s1 =	sadd.s32 s1, s30  }
0xba: {  	s0 =	sor.u32 s3, s0;
	s1 =	sshll.u32 s1, $0x11  }
0xbb: {  	s0 =	sor.u32 s1, s0  }
0xbc: {  	s0 =	sadd.s32 $0x8F2B, s0  }
0xbd: {  	[sflag:s0] =	ssyncadd.remote.s32 $0x1  }
0xbe: {  	_ =	sfence.sel $0xFFFF  }
0xbf: {  	[dreg:$0x0] =	wrdreg $0xFFFFFFFF;
	(pc) =	sbr.abs _section_cstart, $3  }
0xc0: {  	[dreg:$0x1] =	wrdreg $0xFFFFFFFF  }
0xc1: {  	_ =	task.clear_ibuf [dreg:s7], $0x2FFFF;
	_ =	strace $0x9FFFFFFF  }
0xc2: {  	(tm) =	ssettm $0x7FFFFFFF  }
0xc3: {  	_ =	shalt  }
tec
execute0_lowered:
.L_overlay_start_1:
0x0: {  	(tag) =	ssettag $0x1  }
0x1: {  	s3 =	rddreg [dreg:$0x0]  }
0x2: {  	s4 =	rddreg [dreg:$0x1]  }
0x3: {  	s0 =	rddreg [dreg:$0x2];
	s2 =	simm.s32 $0x0;
	s5 =	srdreg.scid  }
0x4: {  	s1 =	stileid.u32;
	s8 =	simm.s32 $0x0;
	s5 =	sand.u32 $0x1, s5  }
0x5: {  	[smem:$0x7FF] =	sst s2;
	s6 =	sshll.u32 s1, $0x9;
	s7 =	sshll.u32 s5, $0x8  }
0x6: {  	s5 =	ssub.s32 $0x2, s5;
	_ =	strace $0x8000004A;
	s6 =	sor.u32 s7, s6  }
0x7: {  	s31 =	sshrl.u32 s5, $0x1;
	s7 =	simm.s32 $0x800;
	s3 =	sadd.s32 s6, s3  }
0x8: {  	s5 =	ssub.s32 s5, s31;
	s4 =	sadd.s32 s6, s4;
	s6 =	simm.s32 $0x1  }
0x9: {  	v0 =	vimm.s32 $0x8;
	v1 =	vlaneseq.u32;
	v2 =	vimm.f32 $0.0e+00;
	s3 =	sadd.s32 $0x3C00, s3;
	s4 =	sadd.s32 $0x2000, s4;
	s5 =	smax.u32 s5, $0x1  }
.LBB2_1:
0xa: {  	[tilespmem:s2], [sflag:$0x1] =	stream.linear.gather [hbm4b:s3+s2], $0x800, $0x38;
	[tilespmem:$0x1000] =	vst v63  }
0xb: {  	s9 =	sand.u32 $0xFFFFFC00, s2;
	_ =	swait.ge [sflag:s6], $0x800  }
0xc: {  	s29 =	sand.u32 $0x70, s2;
	s10 =	sadd.s32 $0x0, s9;
	[sflag:s6] =	ssyncset.done $0x0  }
0xd: {  	s11 =	sand.u32 $0x400, s2;
	s13 =	sor.u32 $0x80, s10;
	[sflag:s6] =	ssyncadd.s32 $0xFFFFF800  }
0xe: {  	s9 =	sor.u32 s29, s11;
	v3 =	vld [tilespmem:s13+$0x0]  }
0xf: {  	v4 =	vld [tilespmem:s9+$0x0]  }
0x10: {  	s12 =	sor.u32 $0x180, s10;
	v5 =	vld [tilespmem:s9+$0x100]  }
0x11: {  	v6 =	vld [tilespmem:s12+$0x0]  }
0x12: {  	s30 =	sor.u32 $0x280, s10;
	v7 =	vld [tilespmem:s9+$0x200]  }
0x13: {  	s31 =	sor.u32 s2, s2;
	v8 =	vld [tilespmem:s30+$0x0]  }
0x14: {  	s10 =	sor.u32 $0x380, s31;
	v9 =	vld [tilespmem:s9+$0x300];
	v10 =	vmax.f32 v4, v3  }
0x15: {  	v11 =	vld [tilespmem:s10+$0x0];
	v10 =	vmax.f32 v10, v5  }
0x16: {  	v10 =	vmax.f32 v10, v6  }
0x17: {  	v10 =	vmax.f32 v10, v7  }
0x18: {  	v10 =	vmax.f32 v10, v8  }
0x19: {  	v10 =	vmax.f32 v10, v9  }
0x1a: {  	v10 =	vmax.f32 v10, v11  }
0x1b: {  	v12 =	vsub.f32 v4, v10  }
0x1c: {  	v13 =	vsub.f32 v3, v10  }
0x1d: {  	v12 =	vmul.f32 $1.442695020e+00, v12  }
0x1e: {  	v14 =	vsub.f32 v5, v10;
	v13 =	vmul.f32 $1.442695020e+00, v13  }
0x1f: {  	(erf) = vpow2.f32 v12  }
0x20: {  	v50 =	vsub.f32 v6, v10;
	v14 =	vmul.f32 $1.442695020e+00, v14;
	(erf) = vpow2.f32 v13;
	_ =	sdelay $0x1  }
0x21: {  	v51 =	vsub.f32 v7, v10;
	v12 =	vmul.f32 $1.442695020e+00, v50;
	(erf) = vpow2.f32 v14;
	_ =	sdelay $0x1  }
0x22: {  	v52 =	vsub.f32 v8, v10;
	v13 =	vmul.f32 $1.442695020e+00, v51;
	(erf) = vpow2.f32 v12;
	_ =	sdelay $0x1  }
0x23: {  	v53 =	vsub.f32 v9, v10;
	v14 =	vmul.f32 $1.442695020e+00, v52;
	(erf) = vpow2.f32 v13;
	_ =	sdelay $0x1  }
0x24: {  	v54 =	vsub.f32 v11, v10;
	v12 =	vmul.f32 $1.442695020e+00, v53;
	v15 =	vpop (erf);
	(erf) = vpow2.f32 v14  }
0x25: {  	vm0 =	veq.f32 v11, v10;
	v55 =	vpop (erf)  }
0x26: {  	v13 =	vmul.f32 $1.442695020e+00, v54;
	(erf) = vpow2.f32 v12;
	v14 =	vadd.f32 v55, v15  }
0x27: {  	vm1 =	veq.f32 v9, v10;
	vm10 =	veq.f32 v8, v10;
	v58 =	vsel vm0, $0x7, v0;
	v56 =	vpop (erf)  }
0x28: {  	v60 =	vsel vm1, $0x6, v58;
	(erf) = vpow2.f32 v13;
	v57 =	vadd.f32 v14, v56  }
0x29: {  	vm11 =	veq.f32 v7, v10;
	v7 =	vsel vm10, $0x5, v60;
	v59 =	vpop (erf)  }
0x2a: {  	vm12 =	veq.f32 v6, v10;
	v6 =	vsel vm11, $0x4, v7;
	v61 =	vadd.f32 v57, v59  }
0x2b: {  	v62 =	vpop (erf)  }
0x2c: {  	v7 =	vadd.f32 v61, v62  }
0x2d: {  	vm13 =	veq.f32 v5, v10;
	v5 =	vsel vm12, $0x3, v6;
	v6 =	vpop (erf)  }
0x2e: {  	[tilespmem:s9+$0x800] =	vst v2;
	vm14 =	veq.f32 v3, v10;
	v3 =	vsel vm13, $0x2, v5;
	v5 =	vadd.f32 v7, v6  }
0x2f: {  	[tilespmem:s13+$0x800] =	vst v2;
	vm15 =	veq.f32 v4, v10;
	v4 =	vpop (erf)  }
0x30: {  	[tilespmem:s9+$0x900] =	vst v2;
	v3 =	vsel vm14, $0x1, v3;
	v4 =	vadd.f32 v5, v4  }
0x31: {  	[tilespmem:s12+$0x800] =	vst v2;
	v3 =	vsel vm15, $0x0, v3;
	v6 =	vmov s2;
	v63 =	vpop (erf)  }
0x32: {  	[tilespmem:s9+$0xA00] =	vst v2;
	v6 =	vshll.u32 v6, $0x3;
	v5 =	vor.u32 s2, v1;
	v8 =	vadd.f32 v4, v63  }
0x33: {  	[tilespmem:s30+$0x800] =	vst v2;
	v7 =	vshll.u32 v3, $0x8;
	v6 =	vand.u32 $0x400, v6;
	v5 =	vand.u32 $0x7F, v5  }
0x34: {  	[tilespmem:s9+$0xB00] =	vst v2;
	v4 =	vand.u32 $0x7FFFF800, v7;
	v5 =	vor.u32 v6, v5;
	(erf) = vrcp.f32 v8  }
0x35: {  	s11 =	simm.s32 $0x20;
	s9 =	simm.s32 $0x10;
	[tilespmem:s10+$0x800] =	vst v2;
	s10 =	simm.s32 $0x80;
	v3 =	vshll.u32 v3, $0x7;
	v4 =	vor.u32 v4, v5  }
.LBB2_2:
0x36: {  	p0 =	sne.s32 s11, $0xF0  }
0x37: {  	s13 =	sand.u32 $0xFFFFFC00, s10;
	s12 =	smov.u32 s11;
	s11 =	sadd.s32 $0x10, s11  }
0x38: {  	v3 =	vand.u32 $0x380, v3;
	s13 =	sadd.s32 s13, s9  }
0x39: {  	v3 =	vor.u32 v3, v4;
	s14 =	sor.u32 $0x80, s13;
	s15 =	sor.u32 $0x180, s13;
	s13 =	sor.u32 $0x280, s13  }
0x3a: {  	_ =	sdelay $0x2  }
0x3b: {  	v4 =	vpop (erf)  }
0x3c: {  	s16 =	sand.u32 $0x70, s9;
	s17 =	sand.u32 $0x400, s10;
	[tilespmem:v3+s7+$0x0] =	vst.idx.msk $0xffff, v4  }
0x3d: {  	s16 =	sor.u32 s16, s17;
	v3 =	vld [tilespmem:s14+$0x0]  }
0x3e: {  	v4 =	vld [tilespmem:s16+$0x0]  }
0x3f: {  	v5 =	vld [tilespmem:s16+$0x100]  }
0x40: {  	v6 =	vld [tilespmem:s15+$0x0]  }
0x41: {  	v7 =	vld [tilespmem:s16+$0x200]  }
0x42: {  	s17 =	sor.u32 s10, s9;
	v8 =	vld [tilespmem:s13+$0x0]  }
0x43: {  	s17 =	sor.u32 $0x380, s17;
	v9 =	vld [tilespmem:s16+$0x300];
	v10 =	vmax.f32 v4, v3  }
0x44: {  	v11 =	vld [tilespmem:s17+$0x0];
	v10 =	vmax.f32 v10, v5  }
0x45: {  	v10 =	vmax.f32 v10, v6;
	[tilespmem:s16+$0x800] =	vst v2  }
0x46: {  	v10 =	vmax.f32 v10, v7;
	[tilespmem:s14+$0x800] =	vst v2  }
0x47: {  	v10 =	vmax.f32 v10, v8;
	[tilespmem:s16+$0x900] =	vst v2  }
0x48: {  	v10 =	vmax.f32 v10, v9;
	[tilespmem:s15+$0x800] =	vst v2  }
0x49: {  	v10 =	vmax.f32 v10, v11;
	[tilespmem:s16+$0xA00] =	vst v2  }
0x4a: {  	v12 =	vsub.f32 v4, v10;
	v13 =	vsub.f32 v6, v10;
	vm0 =	veq.f32 v7, v10;
	[tilespmem:s13+$0x800] =	vst v2  }
0x4b: {  	v14 =	vsub.f32 v3, v10;
	v15 =	vsub.f32 v5, v10;
	vm1 =	veq.f32 v9, v10;
	[tilespmem:s16+$0xB00] =	vst v2  }
0x4c: {  	vm2 =	veq.f32 v11, v10;
	v12 =	vmul.f32 $1.442695020e+00, v12;
	v13 =	vmul.f32 $1.442695020e+00, v13;
	[tilespmem:s17+$0x800] =	vst v2  }
0x4d: {  	v16 =	vsub.f32 v8, v10;
	v14 =	vmul.f32 $1.442695020e+00, v14;
	v15 =	vmul.f32 $1.442695020e+00, v15  }
0x4e: {  	v7 =	vsub.f32 v7, v10;
	v9 =	vsub.f32 v9, v10;
	(erf) = vpow2.f32 v12  }
0x4f: {  	v11 =	vsub.f32 v11, v10;
	v12 =	vmul.f32 $1.442695020e+00, v16;
	(erf) = vpow2.f32 v14  }
0x50: {  	v7 =	vmul.f32 $1.442695020e+00, v7;
	v9 =	vmul.f32 $1.442695020e+00, v9;
	v14 =	vsel vm2, $0x7, v0  }
0x51: {  	vm2 =	veq.f32 v8, v10;
	v8 =	vmul.f32 $1.442695020e+00, v11;
	(erf) = vpow2.f32 v15  }
0x52: {  	vm3 =	veq.f32 v6, v10;
	v6 =	vsel vm1, $0x6, v14  }
0x53: {  	vm4 =	veq.f32 v5, v10;
	vm1 =	veq.f32 v3, v10;
	(erf) = vpow2.f32 v13  }
0x54: {  	vm5 =	veq.f32 v4, v10;
	v3 =	vsel vm2, $0x5, v6  }
0x55: {  	v3 =	vsel vm0, $0x4, v3;
	(erf) = vpow2.f32 v7  }
0x56: {  	v3 =	vsel vm3, $0x3, v3  }
0x57: {  	v3 =	vsel vm4, $0x2, v3;
	v4 =	vpop (erf);
	(erf) = vpow2.f32 v12  }
0x58: {  	v5 =	vmov s9;
	v6 =	vor.u32 s9, v1;
	s9 =	smov.u32 s12;
	v3 =	vsel vm1, $0x1, v3;
	v7 =	vpop (erf)  }
0x59: {  	v3 =	vsel vm5, $0x0, v3;
	v4 =	vadd.f32 v7, v4;
	(erf) = vpow2.f32 v9  }
0x5a: {  	v5 =	vshll.u32 v5, $0x3;
	v7 =	vshll.u32 v3, $0x8;
	v3 =	vshll.u32 v3, $0x7;
	v9 =	vpop (erf)  }
0x5b: {  	v7 =	vand.u32 $0x7FFFF800, v7;
	v4 =	vadd.f32 v4, v9;
	(erf) = vpow2.f32 v8  }
0x5c: {  	v6 =	vand.u32 $0x7F, v6;
	v9 =	vand.u32 $0x400, v5;
	v8 =	vpop (erf)  }
0x5d: {  	v8 =	vadd.f32 v4, v8;
	v4 =	vor.u32 v9, v6  }
0x5e: {  	v4 =	vor.u32 v7, v4;
	v5 =	vpop (erf)  }
0x5f: {  	v5 =	vadd.f32 v8, v5  }
0x60: {  	v6 =	vpop (erf)  }
0x61: {  	v5 =	vadd.f32 v5, v6  }
0x62: {  	v6 =	vpop (erf)  }
0x63: {  	v5 =	vadd.f32 v5, v6  }
0x64: {  	v6 =	vpop (erf)  }
.Ltmp0:
0x65: {  	v5 =	vadd.f32 v5, v6;
	(pc) =	sbr.rel @p0 .LBB2_2-.Ltmp0, $3  }
0x66: {  	_ = 	snop  }
0x67: {  	(erf) = vrcp.f32 v5;
	_ =	sdelay $0x1  }
0x68: {  	s10 =	sadd.s32 $0x80, s10  }
0x69: {  	_ = 	snop  }
0x6a: {  	v3 =	vand.u32 $0x380, v3  }
0x6b: {  	v3 =	vor.u32 v3, v4;
	_ =	sdelay $0x2  }
0x6c: {  	s11 =	sand.u32 $0xFFFFFC00, s10  }
0x6d: {  	s14 =	sadd.s32 s11, s9;
	v40 =	vpop (erf)  }
0x6e: {  	s29 =	sand.u32 $0x70, s9;
	s13 =	sand.u32 $0x400, s10;
	s12 =	sor.u32 $0x80, s14;
	[tilespmem:v3+s7+$0x0] =	vst.idx.msk $0xffff, v40  }
0x6f: {  	s11 =	sor.u32 s29, s13;
	v3 =	vld [tilespmem:s12+$0x0]  }
0x70: {  	v4 =	vld [tilespmem:s11+$0x0]  }
0x71: {  	s30 =	sor.u32 $0x180, s14;
	v5 =	vld [tilespmem:s11+$0x100]  }
0x72: {  	v6 =	vld [tilespmem:s30+$0x0]  }
0x73: {  	s14 =	sor.u32 $0x280, s14;
	v7 =	vld [tilespmem:s11+$0x200]  }
0x74: {  	s31 =	sor.u32 s10, s9;
	v8 =	vld [tilespmem:s14+$0x0]  }
0x75: {  	s10 =	sor.u32 $0x380, s31;
	v9 =	vld [tilespmem:s11+$0x300];
	v10 =	vmax.f32 v4, v3  }
0x76: {  	v11 =	vld [tilespmem:s10+$0x0];
	v10 =	vmax.f32 v10, v5  }
0x77: {  	v10 =	vmax.f32 v10, v6  }
0x78: {  	v10 =	vmax.f32 v10, v7  }
0x79: {  	v10 =	vmax.f32 v10, v8  }
0x7a: {  	v10 =	vmax.f32 v10, v9  }
0x7b: {  	v10 =	vmax.f32 v10, v11  }
0x7c: {  	v12 =	vsub.f32 v4, v10  }
0x7d: {  	v13 =	vsub.f32 v3, v10  }
0x7e: {  	v12 =	vmul.f32 $1.442695020e+00, v12  }
0x7f: {  	v14 =	vsub.f32 v5, v10;
	v13 =	vmul.f32 $1.442695020e+00, v13  }
0x80: {  	(erf) = vpow2.f32 v12  }
0x81: {  	v41 =	vsub.f32 v6, v10;
	v14 =	vmul.f32 $1.442695020e+00, v14;
	(erf) = vpow2.f32 v13;
	_ =	sdelay $0x1  }
0x82: {  	v42 =	vsub.f32 v7, v10;
	v12 =	vmul.f32 $1.442695020e+00, v41;
	(erf) = vpow2.f32 v14;
	_ =	sdelay $0x1  }
0x83: {  	v43 =	vsub.f32 v8, v10;
	v13 =	vmul.f32 $1.442695020e+00, v42;
	(erf) = vpow2.f32 v12;
	_ =	sdelay $0x1  }
0x84: {  	v44 =	vsub.f32 v9, v10;
	v14 =	vmul.f32 $1.442695020e+00, v43;
	(erf) = vpow2.f32 v13;
	_ =	sdelay $0x1  }
0x85: {  	v45 =	vsub.f32 v11, v10;
	v12 =	vmul.f32 $1.442695020e+00, v44;
	v15 =	vpop (erf);
	(erf) = vpow2.f32 v14  }
0x86: {  	v46 =	vpop (erf)  }
0x87: {  	v13 =	vmul.f32 $1.442695020e+00, v45;
	(erf) = vpow2.f32 v12;
	v14 =	vadd.f32 v46, v15  }
0x88: {  	v47 =	vpop (erf)  }
0x89: {  	(erf) = vpow2.f32 v13;
	v12 =	vadd.f32 v14, v47  }
0x8a: {  	v48 =	vpop (erf)  }
0x8b: {  	v12 =	vadd.f32 v12, v48  }
0x8c: {  	v49 =	vpop (erf)  }
0x8d: {  	v12 =	vadd.f32 v12, v49  }
0x8e: {  	vm0 =	veq.f32 v11, v10;
	v50 =	vpop (erf)  }
0x8f: {  	vm1 =	veq.f32 v9, v10;
	v51 =	vsel vm0, $0x7, v0;
	v11 =	vadd.f32 v12, v50  }
0x90: {  	vm11 =	veq.f32 v8, v10;
	v52 =	vsel vm1, $0x6, v51;
	v53 =	vpop (erf)  }
0x91: {  	vm12 =	veq.f32 v7, v10;
	v54 =	vsel vm11, $0x5, v52;
	v55 =	vadd.f32 v11, v53  }
0x92: {  	vm13 =	veq.f32 v6, v10;
	v56 =	vsel vm12, $0x4, v54;
	v57 =	vpop (erf)  }
0x93: {  	vm14 =	veq.f32 v5, v10;
	v58 =	vsel vm13, $0x3, v56;
	v59 =	vadd.f32 v55, v57  }
0x94: {  	v60 =	vmov s9;
	vm15 =	veq.f32 v3, v10;
	v3 =	vsel vm14, $0x2, v58  }
0x95: {  	vm2 =	veq.f32 v4, v10;
	v3 =	vsel vm15, $0x1, v3;
	(erf) = vrcp.f32 v59  }
0x96: {  	v61 =	vor.u32 s9, v1;
	v4 =	vshll.u32 v60, $0x3;
	v3 =	vsel vm2, $0x0, v3  }
0x97: {  	[tilespmem:s11+$0x800] =	vst v2;
	v5 =	vand.u32 $0x7F, v61;
	v4 =	vand.u32 $0x400, v4;
	v62 =	vshll.u32 v3, $0x8  }
0x98: {  	[tilespmem:s12+$0x800] =	vst v2;
	v4 =	vor.u32 v4, v5;
	v3 =	vshll.u32 v3, $0x7;
	v6 =	vand.u32 $0x7FFFF800, v62  }
0x99: {  	[tilespmem:s11+$0x900] =	vst v2;
	v3 =	vand.u32 $0x380, v3;
	v4 =	vor.u32 v6, v4  }
0x9a: {  	[tilespmem:s30+$0x800] =	vst v2;
	v3 =	vor.u32 v3, v4  }
0x9b: {  	[tilespmem:s11+$0xA00] =	vst v2  }
0x9c: {  	[tilespmem:s14+$0x800] =	vst v2  }
0x9d: {  	s8 =	sadd.s32 $0x1, s8;
	[tilespmem:s11+$0xB00] =	vst v2  }
0x9e: {  	p0 =	sne.s32 s8, s5;
	[tilespmem:s10+$0x800] =	vst v2;
	v63 =	vpop (erf)  }
.Ltmp1:
0x9f: {  	[tilespmem:v3+s7+$0x0] =	vst.idx.msk $0xffff, v63;
	(pc) =	sbr.rel @p0 .LBB2_1-.Ltmp1, $4  }
0xa0: {  	[hbm4b:s4+s2] =	stream.linear.scatter [tilespmem:s7], [sflag:$0x1], $0x800, $0x38;
	[tilespmem:$0x1000] =	vst v63  }
0xa1: {  	_ =	swait.ge [sflag:s6], $0x800  }
0xa2: {  	[sflag:s6] =	ssyncset.done $0x0  }
0xa3: {  	[sflag:s6] =	ssyncadd.s32 $0xFFFFF800  }
0xa4: {  	_ =	sfence.sel $0x180000  }
0xa5: {  	[bflag:$0x0] =	sbarrier.arrive $0xFFFF  }
0xa6: {  	p0 =	sne.s32 s1, $0x0;
	_ =	strace $0x9000004A  }
0xa7: {  	s0 =	sadd.s32 @!p0 $0x100000, s0;
	[bflag:$0x2] =	sbarrier.arrive $0xFFFF  }
0xa8: {  	[sflag:s0] =	ssyncadd.tile.s32 @!p0 $0x1;
	_ =	shalt  }
.Lfunc_end2:
_tile_overlayer_lowered:
.L_overlay_start_2:
0xa9: {  	(tag) =	ssettag $0x2  }
0xaa: {  	s0 =	rddreg [dreg:$0x0];
	s2 =	stileid.u32  }
0xab: {  	s1 =	rddreg [dreg:$0x1];
	p0 =	sne.s32 s2, $0x0  }
0xac: {  	s3 =	rddreg [dreg:$0x2];
	[bflag:$0x3] =	sbarrier.arrive $0xFFFF;
	s2 =	simm.s32 @!p0 $0x1C01  }
0xad: {  	[timem:s3], [sflag:s2] =	dma.local @!p0 [hbm:s0], s1  }
0xae: {  	s0 =	simm.s32 @!p0 $0x1  }
0xaf: {  	_ =	swait.ge @!p0 [sflag:s0], s1  }
0xb0: {  	s1 =	ssub.s32 @!p0 $0x0, s1;
	[sflag:s0] =	ssyncset.done @!p0 $0x0  }
0xb1: {  	[sflag:s0] =	ssyncadd.s32 @!p0 s1  }
0xb2: {  	[bflag:$0x3] =	sbarrier.arrive $0xFFFF  }
0xb3: {  	_ =	shalt  }

// kernel: kernel.16.cloned.1.call-start
scs
__scs_entry_jumppad:
0x0: {  	(pc) =	sbr.rel $0x88, $3  }
0x1: {  	(tag) =	ssettag $0x0;
	lr =	simm.s32 $0x1  }
0x2: {  	[smem:$0x3F9E] =	sst lr;
	_ =	strace $0xD0000000  }
0x3: {  	_ = 	snop  }
0x4: {  	_ = 	snop  }
0x5: {  	_ = 	snop  }
0x6: {  	_ = 	snop  }
0x7: {  	_ = 	snop  }
__scs_overlays_trampoline_lowered:
0x8: {  	[smem:$0x3FAD] =	sst s0  }
0x9: {  	[smem:$0x3FAE] =	sst s1  }
0xa: {  	[smem:$0x3FAF] =	sst s2  }
0xb: {  	[smem:$0x3FB0] =	sst s3  }
0xc: {  	[smem:$0x3FB1] =	sst s4  }
0xd: {  	[smem:$0x3FB2] =	sst s5  }
0xe: {  	[smem:$0x3FB3] =	sst s6  }
0xf: {  	[smem:$0x3FB4] =	sst s7  }
0x10: {  	[smem:$0x3FB5] =	sst s8  }
0x11: {  	[smem:$0x3FB6] =	sst s9;
	s0 =	simm.s32 @!p0 $0x0  }
0x12: {  	s1 =	sld [smem:$0x3F9C];
	s0 =	simm.s32 @p0 $0x1  }
0x13: {  	[smem:$0x3FB7] =	sst s0;
	s0 =	simm.s32 @!p1 $0x0  }
0x14: {  	s2 =	sld [smem:$0x3F9B];
	s0 =	simm.s32 @p1 $0x1  }
0x15: {  	[smem:$0x3FB8] =	sst s0;
	s0 =	simm.s32 @!p2 $0x0  }
0x16: {  	s3 =	sld [smem:$0x3FDB];
	s0 =	simm.s32 @p2 $0x1  }
0x17: {  	s4 =	simm.s32 $0x1BF5;
	[smem:$0x3FBA] =	sst s0  }
0x18: {  	s0 =	sld [smem:$0x3F9D];
	_ =	swait.ge [sflag:s4], $0x0  }
0x19: {  	s7 =	sld [smem:$0x3F9E]  }
0x1a: {  	s8 =	sadd.s32 $0xFFFFE003, lr  }
0x1b: {  	s9 =	sadd.s32 $0xFFFFFEF7, lr;
	s5 =	simm.s32 $0xFFFFFFFF;
	p2 =	slt.u32 s8, $0xFFFFF086  }
0x1c: {  	p1 =	slt.u32 s9, $0xF7A;
	s5 =	simm.s32 @!p2 $0x0  }
0x1d: {  	s5 =	simm.s32 @p1 $0x1;
	p0 =	seq.s32 s7, s2  }
0x1e: {  	s7 =	smul.u32 @!p0 $0xF7A, s2;
	p2 =	seq.s32 @!p0 s5, $0x0  }
0x1f: {  	s9 =	smul.u32 $0xF7A, s1;
	s8 =	simm.s32 @!p0 $0x1BF5;
	p2 =	por !p2, p0  }
0x20: {  	[sflag:s8] =	ssyncset.s32 @!p0 $0xFFFFF086;
	s6 =	sadd.s32 @!p0 s3, s7;
	s7 =	simm.s32 @!p0 $0x108  }
0x21: {  	s3 =	sadd.s32 s3, s9;
	s6 =	sadd.s32 @!p0 $0x88, s6;
	s7 =	simm.s32 @p2 $0x1082  }
0x22: {  	[simem:s7], [sflag:s8] =	dma.local @!p0 [hbm:s6], $0xF7A  }
0x23: {  	s9 =	sor.u32 $0xD0000000, s2;
	s6 =	simm.s32 $0x108;
	_ =	swait.ge @!p0 [sflag:s8], $0x0  }
0x24: {  	s3 =	sadd.s32 $0x88, s3;
	s6 =	simm.s32 @!p1 $0x1082;
	[sflag:s4] =	ssyncset.s32 $0xFFFFF086  }
0x25: {  	[simem:s6], [sflag:s4] =	dma.local [hbm:s3], $0xF7A  }
0x26: {  	[smem:$0x3F9E] =	sst s1;
	(tag) =	ssettag s2;
	_ =	strace s9  }
0x27: {  	s1 =	sld [smem:$0x3FAE]  }
0x28: {  	s2 =	sld [smem:$0x3FAF]  }
0x29: {  	s4 =	sld [smem:$0x3FB1]  }
0x2a: {  	p0 =	seq.s32 s5, $0x0;
	s5 =	sld [smem:$0x3FB2]  }
0x2b: {  	s6 =	sld [smem:$0x3FB3]  }
0x2c: {  	s7 =	sld [smem:$0x3FB4]  }
0x2d: {  	s3 =	simm.s32 $0x108;
	s8 =	sld [smem:$0x3FB5]  }
0x2e: {  	s3 =	simm.s32 @!p0 $0x1082;
	s9 =	sld [smem:$0x3FB6]  }
0x2f: {  	lr =	sadd.s32 s0, s3;
	s0 =	sld [smem:$0x3FAD]  }
0x30: {  	s3 =	sld [smem:$0x3FB0]  }
0x31: {  	[smem:$0x3FB9] =	sst s10  }
0x32: {  	s10 =	sld [smem:$0x3FB7];
	_ =	sdelay $0x3  }
0x33: {  	p0 =	seq.s32 s10, $0x1;
	s10 =	sld [smem:$0x3FB9];
	_ =	sdelay $0x3  }
0x34: {  	[smem:$0x3FB9] =	sst s10  }
0x35: {  	s10 =	sld [smem:$0x3FB8];
	_ =	sdelay $0x3  }
0x36: {  	p1 =	seq.s32 s10, $0x1;
	s10 =	sld [smem:$0x3FB9];
	_ =	sdelay $0x3  }
0x37: {  	[smem:$0x3FB9] =	sst s10  }
0x38: {  	s10 =	sld [smem:$0x3FBA]  }
0x39: {  	_ = 	snop;
	(pc) =	sbr.ind lr, $3  }
0x3a: {  	_ = 	snop  }
0x3b: {  	_ = 	snop  }
0x3c: {  	p2 =	seq.s32 s10, $0x1;
	s10 =	sld [smem:$0x3FB9]  }
0x3d: {  	_ =	shalt  }
0x3e: {  	_ =	shalt  }
0x3f: {  	_ =	shalt  }
0x40: {  	_ =	shalt  }
0x41: {  	_ =	shalt  }
0x42: {  	_ =	shalt  }
0x43: {  	_ =	shalt  }
0x44: {  	_ =	shalt  }
0x45: {  	_ =	shalt  }
0x46: {  	_ =	shalt  }
0x47: {  	_ =	shalt  }
0x48: {  	_ =	shalt  }
0x49: {  	_ =	shalt  }
0x4a: {  	_ =	shalt  }
0x4b: {  	_ =	shalt  }
0x4c: {  	_ =	shalt  }
0x4d: {  	_ =	shalt  }
0x4e: {  	_ =	shalt  }
0x4f: {  	_ =	shalt  }
0x50: {  	_ =	shalt  }
0x51: {  	_ =	shalt  }
0x52: {  	_ =	shalt  }
0x53: {  	_ =	shalt  }
0x54: {  	_ =	shalt  }
0x55: {  	_ =	shalt  }
0x56: {  	_ =	shalt  }
0x57: {  	_ =	shalt  }
0x58: {  	_ =	shalt  }
0x59: {  	_ =	shalt  }
0x5a: {  	_ =	shalt  }
0x5b: {  	_ =	shalt  }
0x5c: {  	_ =	shalt  }
0x5d: {  	_ =	shalt  }
0x5e: {  	_ =	shalt  }
0x5f: {  	_ =	shalt  }
0x60: {  	_ =	shalt  }
0x61: {  	_ =	shalt  }
0x62: {  	_ =	shalt  }
0x63: {  	_ =	shalt  }
0x64: {  	_ =	shalt  }
0x65: {  	_ =	shalt  }
0x66: {  	_ =	shalt  }
0x67: {  	_ =	shalt  }
0x68: {  	_ =	shalt  }
0x69: {  	_ =	shalt  }
0x6a: {  	_ =	shalt  }
0x6b: {  	_ =	shalt  }
0x6c: {  	_ =	shalt  }
0x6d: {  	_ =	shalt  }
0x6e: {  	_ =	shalt  }
0x6f: {  	_ =	shalt  }
0x70: {  	_ =	shalt  }
0x71: {  	_ =	shalt  }
0x72: {  	_ =	shalt  }
0x73: {  	_ =	shalt  }
0x74: {  	_ =	shalt  }
0x75: {  	_ =	shalt  }
0x76: {  	_ =	shalt  }
0x77: {  	_ =	shalt  }
0x78: {  	_ =	shalt  }
0x79: {  	_ =	shalt  }
0x7a: {  	_ =	shalt  }
0x7b: {  	_ =	shalt  }
0x7c: {  	_ =	shalt  }
0x7d: {  	_ =	shalt  }
0x7e: {  	_ =	shalt  }
0x7f: {  	_ =	shalt  }
0x80: {  	_ =	shalt  }
0x81: {  	_ =	shalt  }
0x82: {  	_ =	shalt  }
0x83: {  	_ =	shalt  }
0x84: {  	_ =	shalt  }
0x85: {  	_ =	shalt  }
0x86: {  	_ =	shalt  }
0x87: {  	_ =	shalt  }
.Lfunc_end0:
.L_simem_size_0:
called_computation.2_lowered:
.L_overlay_start_0:
0x88: {  	s2 =	sld [smem:$0x3FD9]  }
0x89: {  	s3 =	sld [smem:$0x3FFE];
	_ =	sdelay $0x1  }
0x8a: {  	s1 =	srdreg.scid  }
0x8b: {  	s0 =	sand.u32 $0x1, s1  }
0x8c: {  	s17 =	sshll.u32 s0, $0xA;
	s2 =	sadd.s32 s3, s2  }
0x8d: {  	s2 =	sadd.s32 s2, s17  }
0x8e: {  	[smem:$0x3FC5] =	sst s2  }
0x8f: {  	_ = 	snop  }
0x90: {  	s2 =	sld [smem:$0x3FD0];
	(tm) =	ssettm $0x1  }
0x91: {  	s18 =	sld [smem:$0x3FFB];
	_ =	sdelay $0x3  }
0x92: {  	_ =	strace s18  }
0x93: {  	s3 =	sld [smem:$0x3FFC];
	_ =	sdelay $0x3  }
0x94: {  	_ =	strace s3  }
0x95: {  	s3 =	sld [smem:$0x3FFD];
	_ =	sdelay $0x3  }
0x96: {  	_ =	strace s3  }
0x97: {  	_ =	strace $0x8FFFFFFF  }
0x98: {  	s19 =	sld [smem:$0x3FDB];
	_ =	sdelay $0x1  }
0x99: {  	s4 =	simm.s32 $_scs_section_size  }
0x9a: {  	s5 =	simm.s32 $_size__tile_overlayer_lowered;
	s6 =	simm.s32 $_tile_overlayer_lowered  }
0x9b: {  	s22 =	simm.s32 $0x1BFF;
	s21 =	sshll.u32 s6, $0x1;
	s3 =	sadd.s32 s4, s19  }
0x9c: {  	s7 =	simm.s32 $0x0;
	s20 =	sshll.u32 s5, $0x1;
	s5 =	sadd.s32 s21, s3  }
0x9d: {  	[timem:s7], [sflag:s22] =	dma.local [hbm:s5], s20  }
0x9e: {  	_ =	swait.ge [sflag:s22], s20  }
0x9f: {  	s4 =	ssub.s32 $0x0, s20;
	[sflag:s22] =	ssyncset.done $0x0  }
0xa0: {  	[sflag:s22] =	ssyncadd.s32 s4;
	_ =	sdelay $0x1  }
0xa1: {  	s23 =	simm.s32 $0x1B8B  }
0xa2: {  	_ =	swait.ge [sflag:s23], $0x1  }
0xa3: {  	[sflag:s23] =	ssyncset.done $0x0  }
0xa4: {  	s25 =	simm.s32 $0x1B8E;
	s24 =	sld [smem:$0x3FFE];
	[sflag:s23] =	ssyncadd.s32 $0xFFFFFFFF  }
0xa5: {  	s26 =	simm.s32 $execute0_lowered;
	[smem:$0x3FD2] =	sst s25  }
0xa6: {  	s5 =	sshll.u32 s26, $0x1;
	_ =	strace $0x8000004C;
	[dreg:$0x1] =	wrdreg $0xFFFFFFFF  }
0xa7: {  	s28 =	simm.s32 $_size_execute0_lowered;
	s3 =	sadd.s32 s3, s5;
	[dreg:$0x0] =	wrdreg $0x0  }
0xa8: {  	s5 =	sshll.u32 s28, $0x1;
	[dreg:$0x2] =	wrdreg s3  }
0xa9: {  	[dreg:$0x3] =	wrdreg s5  }
0xaa: {  	[dreg:$0x4] =	wrdreg $0xC0  }
0xab: {  	_ =	task [dreg:s7], $0x5FFFF  }
0xac: {  	[dreg:$0x1] =	wrdreg $0xFFFFFFFF  }
0xad: {  	[dreg:$0x0] =	wrdreg $0x60  }
0xae: {  	[dreg:$0x2] =	wrdreg s24  }
0xaf: {  	[dreg:$0x3] =	wrdreg s2  }
0xb0: {  	[dreg:$0x4] =	wrdreg $0x9  }
0xb1: {  	_ =	task.clear_ibuf [dreg:s7], $0x5FFFF;
	_ =	strace $0x9000004C  }
0xb2: {  	s29 =	simm.s32 $0x9;
	_ =	strace $0x8000004E  }
0xb3: {  	_ =	swait.ge [sflag:s29], $0x1  }
0xb4: {  	[sflag:s29] =	ssyncadd.s32 $0xFFFFFFFF  }
0xb5: {  	_ =	strace $0x9000004E  }
0xb6: {  	_ =	sfence  }
0xb7: {  	s30 =	sld [smem:$0x0];
	_ =	sdelay $0x2  }
0xb8: {  	s31 =	sshll.u32 s1, $0xD;
	s1 =	sshrl.u32 s1, $0x2  }
0xb9: {  	s3 =	sand.u32 $0x4000, s31;
	s1 =	sadd.s32 s1, s30  }
0xba: {  	s0 =	sor.u32 s3, s0;
	s1 =	sshll.u32 s1, $0x11  }
0xbb: {  	s0 =	sor.u32 s1, s0  }
0xbc: {  	s0 =	sadd.s32 $0x8F2B, s0  }
0xbd: {  	[sflag:s0] =	ssyncadd.remote.s32 $0x1  }
0xbe: {  	_ =	sfence.sel $0xFFFF  }
0xbf: {  	[dreg:$0x0] =	wrdreg $0xFFFFFFFF;
	(pc) =	sbr.abs _section_cstart, $3  }
0xc0: {  	[dreg:$0x1] =	wrdreg $0xFFFFFFFF  }
0xc1: {  	_ =	task.clear_ibuf [dreg:s7], $0x2FFFF;
	_ =	strace $0x9FFFFFFF  }
0xc2: {  	(tm) =	ssettm $0x7FFFFFFF  }
0xc3: {  	_ =	shalt  }
tec
execute0_lowered:
.L_overlay_start_1:
0x0: {  	(tag) =	ssettag $0x1  }
0x1: {  	s3 =	rddreg [dreg:$0x0]  }
0x2: {  	s4 =	rddreg [dreg:$0x1]  }
0x3: {  	s0 =	rddreg [dreg:$0x2];
	s2 =	simm.s32 $0x0;
	s5 =	srdreg.scid  }
0x4: {  	s1 =	stileid.u32;
	s8 =	simm.s32 $0x0;
	s5 =	sand.u32 $0x1, s5  }
0x5: {  	[smem:$0x7FF] =	sst s2;
	s6 =	sshll.u32 s1, $0x9;
	s7 =	sshll.u32 s5, $0x8  }
0x6: {  	s5 =	ssub.s32 $0x2, s5;
	_ =	strace $0x8000004D;
	s6 =	sor.u32 s7, s6  }
0x7: {  	s31 =	sshrl.u32 s5, $0x1;
	s7 =	simm.s32 $0x800;
	s3 =	sadd.s32 s6, s3  }
0x8: {  	s5 =	ssub.s32 s5, s31;
	s4 =	sadd.s32 s6, s4;
	s6 =	simm.s32 $0x1  }
0x9: {  	v0 =	vimm.s32 $0x8;
	v1 =	vlaneseq.u32;
	v2 =	vimm.f32 $0.0e+00;
	s3 =	sadd.s32 $0x1C00, s3;
	s4 =	sadd.s32 $0x4000, s4;
	s5 =	smax.u32 s5, $0x1  }
.LBB2_1:
0xa: {  	[tilespmem:s2], [sflag:$0x1] =	stream.linear.gather [hbm4b:s3+s2], $0x800, $0x38;
	[tilespmem:$0x1000] =	vst v63  }
0xb: {  	s9 =	sand.u32 $0xFFFFFC00, s2;
	_ =	swait.ge [sflag:s6], $0x800  }
0xc: {  	s29 =	sand.u32 $0x70, s2;
	s10 =	sadd.s32 $0x0, s9;
	[sflag:s6] =	ssyncset.done $0x0  }
0xd: {  	s11 =	sand.u32 $0x400, s2;
	s13 =	sor.u32 $0x80, s10;
	[sflag:s6] =	ssyncadd.s32 $0xFFFFF800  }
0xe: {  	s9 =	sor.u32 s29, s11;
	v3 =	vld [tilespmem:s13+$0x0]  }
0xf: {  	v4 =	vld [tilespmem:s9+$0x0]  }
0x10: {  	s12 =	sor.u32 $0x180, s10;
	v5 =	vld [tilespmem:s9+$0x100]  }
0x11: {  	v6 =	vld [tilespmem:s12+$0x0]  }
0x12: {  	s30 =	sor.u32 $0x280, s10;
	v7 =	vld [tilespmem:s9+$0x200]  }
0x13: {  	s31 =	sor.u32 s2, s2;
	v8 =	vld [tilespmem:s30+$0x0]  }
0x14: {  	s10 =	sor.u32 $0x380, s31;
	v9 =	vld [tilespmem:s9+$0x300];
	v10 =	vmax.f32 v4, v3  }
0x15: {  	v11 =	vld [tilespmem:s10+$0x0];
	v10 =	vmax.f32 v10, v5  }
0x16: {  	v10 =	vmax.f32 v10, v6  }
0x17: {  	v10 =	vmax.f32 v10, v7  }
0x18: {  	v10 =	vmax.f32 v10, v8  }
0x19: {  	v10 =	vmax.f32 v10, v9  }
0x1a: {  	v10 =	vmax.f32 v10, v11  }
0x1b: {  	v12 =	vsub.f32 v4, v10  }
0x1c: {  	v13 =	vsub.f32 v3, v10  }
0x1d: {  	v12 =	vmul.f32 $1.442695020e+00, v12  }
0x1e: {  	v14 =	vsub.f32 v5, v10;
	v13 =	vmul.f32 $1.442695020e+00, v13  }
0x1f: {  	(erf) = vpow2.f32 v12  }
0x20: {  	v50 =	vsub.f32 v6, v10;
	v14 =	vmul.f32 $1.442695020e+00, v14;
	(erf) = vpow2.f32 v13;
	_ =	sdelay $0x1  }
0x21: {  	v51 =	vsub.f32 v7, v10;
	v12 =	vmul.f32 $1.442695020e+00, v50;
	(erf) = vpow2.f32 v14;
	_ =	sdelay $0x1  }
0x22: {  	v52 =	vsub.f32 v8, v10;
	v13 =	vmul.f32 $1.442695020e+00, v51;
	(erf) = vpow2.f32 v12;
	_ =	sdelay $0x1  }
0x23: {  	v53 =	vsub.f32 v9, v10;
	v14 =	vmul.f32 $1.442695020e+00, v52;
	(erf) = vpow2.f32 v13;
	_ =	sdelay $0x1  }
0x24: {  	v54 =	vsub.f32 v11, v10;
	v12 =	vmul.f32 $1.442695020e+00, v53;
	v15 =	vpop (erf);
	(erf) = vpow2.f32 v14  }
0x25: {  	vm0 =	veq.f32 v11, v10;
	v55 =	vpop (erf)  }
0x26: {  	v13 =	vmul.f32 $1.442695020e+00, v54;
	(erf) = vpow2.f32 v12;
	v14 =	vadd.f32 v55, v15  }
0x27: {  	vm1 =	veq.f32 v9, v10;
	vm10 =	veq.f32 v8, v10;
	v58 =	vsel vm0, $0x7, v0;
	v56 =	vpop (erf)  }
0x28: {  	v60 =	vsel vm1, $0x6, v58;
	(erf) = vpow2.f32 v13;
	v57 =	vadd.f32 v14, v56  }
0x29: {  	vm11 =	veq.f32 v7, v10;
	v7 =	vsel vm10, $0x5, v60;
	v59 =	vpop (erf)  }
0x2a: {  	vm12 =	veq.f32 v6, v10;
	v6 =	vsel vm11, $0x4, v7;
	v61 =	vadd.f32 v57, v59  }
0x2b: {  	v62 =	vpop (erf)  }
0x2c: {  	v7 =	vadd.f32 v61, v62  }
0x2d: {  	vm13 =	veq.f32 v5, v10;
	v5 =	vsel vm12, $0x3, v6;
	v6 =	vpop (erf)  }
0x2e: {  	[tilespmem:s9+$0x800] =	vst v2;
	vm14 =	veq.f32 v3, v10;
	v3 =	vsel vm13, $0x2, v5;
	v5 =	vadd.f32 v7, v6  }
0x2f: {  	[tilespmem:s13+$0x800] =	vst v2;
	vm15 =	veq.f32 v4, v10;
	v4 =	vpop (erf)  }
0x30: {  	[tilespmem:s9+$0x900] =	vst v2;
	v3 =	vsel vm14, $0x1, v3;
	v4 =	vadd.f32 v5, v4  }
0x31: {  	[tilespmem:s12+$0x800] =	vst v2;
	v3 =	vsel vm15, $0x0, v3;
	v6 =	vmov s2;
	v63 =	vpop (erf)  }
0x32: {  	[tilespmem:s9+$0xA00] =	vst v2;
	v6 =	vshll.u32 v6, $0x3;
	v5 =	vor.u32 s2, v1;
	v8 =	vadd.f32 v4, v63  }
0x33: {  	[tilespmem:s30+$0x800] =	vst v2;
	v7 =	vshll.u32 v3, $0x8;
	v6 =	vand.u32 $0x400, v6;
	v5 =	vand.u32 $0x7F, v5  }
0x34: {  	[tilespmem:s9+$0xB00] =	vst v2;
	v4 =	vand.u32 $0x7FFFF800, v7;
	v5 =	vor.u32 v6, v5;
	(erf) = vrcp.f32 v8  }
0x35: {  	s11 =	simm.s32 $0x20;
	s9 =	simm.s32 $0x10;
	[tilespmem:s10+$0x800] =	vst v2;
	s10 =	simm.s32 $0x80;
	v3 =	vshll.u32 v3, $0x7;
	v4 =	vor.u32 v4, v5  }
.LBB2_2:
0x36: {  	p0 =	sne.s32 s11, $0xF0  }
0x37: {  	s13 =	sand.u32 $0xFFFFFC00, s10;
	s12 =	smov.u32 s11;
	s11 =	sadd.s32 $0x10, s11  }
0x38: {  	v3 =	vand.u32 $0x380, v3;
	s13 =	sadd.s32 s13, s9  }
0x39: {  	v3 =	vor.u32 v3, v4;
	s14 =	sor.u32 $0x80, s13;
	s15 =	sor.u32 $0x180, s13;
	s13 =	sor.u32 $0x280, s13  }
0x3a: {  	_ =	sdelay $0x2  }
0x3b: {  	v4 =	vpop (erf)  }
0x3c: {  	s16 =	sand.u32 $0x70, s9;
	s17 =	sand.u32 $0x400, s10;
	[tilespmem:v3+s7+$0x0] =	vst.idx.msk $0xffff, v4  }
0x3d: {  	s16 =	sor.u32 s16, s17;
	v3 =	vld [tilespmem:s14+$0x0]  }
0x3e: {  	v4 =	vld [tilespmem:s16+$0x0]  }
0x3f: {  	v5 =	vld [tilespmem:s16+$0x100]  }
0x40: {  	v6 =	vld [tilespmem:s15+$0x0]  }
0x41: {  	v7 =	vld [tilespmem:s16+$0x200]  }
0x42: {  	s17 =	sor.u32 s10, s9;
	v8 =	vld [tilespmem:s13+$0x0]  }
0x43: {  	s17 =	sor.u32 $0x380, s17;
	v9 =	vld [tilespmem:s16+$0x300];
	v10 =	vmax.f32 v4, v3  }
0x44: {  	v11 =	vld [tilespmem:s17+$0x0];
	v10 =	vmax.f32 v10, v5  }
0x45: {  	v10 =	vmax.f32 v10, v6;
	[tilespmem:s16+$0x800] =	vst v2  }
0x46: {  	v10 =	vmax.f32 v10, v7;
	[tilespmem:s14+$0x800] =	vst v2  }
0x47: {  	v10 =	vmax.f32 v10, v8;
	[tilespmem:s16+$0x900] =	vst v2  }
0x48: {  	v10 =	vmax.f32 v10, v9;
	[tilespmem:s15+$0x800] =	vst v2  }
0x49: {  	v10 =	vmax.f32 v10, v11;
	[tilespmem:s16+$0xA00] =	vst v2  }
0x4a: {  	v12 =	vsub.f32 v4, v10;
	v13 =	vsub.f32 v6, v10;
	vm0 =	veq.f32 v7, v10;
	[tilespmem:s13+$0x800] =	vst v2  }
0x4b: {  	v14 =	vsub.f32 v3, v10;
	v15 =	vsub.f32 v5, v10;
	vm1 =	veq.f32 v9, v10;
	[tilespmem:s16+$0xB00] =	vst v2  }
0x4c: {  	vm2 =	veq.f32 v11, v10;
	v12 =	vmul.f32 $1.442695020e+00, v12;
	v13 =	vmul.f32 $1.442695020e+00, v13;
	[tilespmem:s17+$0x800] =	vst v2  }
0x4d: {  	v16 =	vsub.f32 v8, v10;
	v14 =	vmul.f32 $1.442695020e+00, v14;
	v15 =	vmul.f32 $1.442695020e+00, v15  }
0x4e: {  	v7 =	vsub.f32 v7, v10;
	v9 =	vsub.f32 v9, v10;
	(erf) = vpow2.f32 v12  }
0x4f: {  	v11 =	vsub.f32 v11, v10;
	v12 =	vmul.f32 $1.442695020e+00, v16;
	(erf) = vpow2.f32 v14  }
0x50: {  	v7 =	vmul.f32 $1.442695020e+00, v7;
	v9 =	vmul.f32 $1.442695020e+00, v9;
	v14 =	vsel vm2, $0x7, v0  }
0x51: {  	vm2 =	veq.f32 v8, v10;
	v8 =	vmul.f32 $1.442695020e+00, v11;
	(erf) = vpow2.f32 v15  }
0x52: {  	vm3 =	veq.f32 v6, v10;
	v6 =	vsel vm1, $0x6, v14  }
0x53: {  	vm4 =	veq.f32 v5, v10;
	vm1 =	veq.f32 v3, v10;
	(erf) = vpow2.f32 v13  }
0x54: {  	vm5 =	veq.f32 v4, v10;
	v3 =	vsel vm2, $0x5, v6  }
0x55: {  	v3 =	vsel vm0, $0x4, v3;
	(erf) = vpow2.f32 v7  }
0x56: {  	v3 =	vsel vm3, $0x3, v3  }
0x57: {  	v3 =	vsel vm4, $0x2, v3;
	v4 =	vpop (erf);
	(erf) = vpow2.f32 v12  }
0x58: {  	v5 =	vmov s9;
	v6 =	vor.u32 s9, v1;
	s9 =	smov.u32 s12;
	v3 =	vsel vm1, $0x1, v3;
	v7 =	vpop (erf)  }
0x59: {  	v3 =	vsel vm5, $0x0, v3;
	v4 =	vadd.f32 v7, v4;
	(erf) = vpow2.f32 v9  }
0x5a: {  	v5 =	vshll.u32 v5, $0x3;
	v7 =	vshll.u32 v3, $0x8;
	v3 =	vshll.u32 v3, $0x7;
	v9 =	vpop (erf)  }
0x5b: {  	v7 =	vand.u32 $0x7FFFF800, v7;
	v4 =	vadd.f32 v4, v9;
	(erf) = vpow2.f32 v8  }
0x5c: {  	v6 =	vand.u32 $0x7F, v6;
	v9 =	vand.u32 $0x400, v5;
	v8 =	vpop (erf)  }
0x5d: {  	v8 =	vadd.f32 v4, v8;
	v4 =	vor.u32 v9, v6  }
0x5e: {  	v4 =	vor.u32 v7, v4;
	v5 =	vpop (erf)  }
0x5f: {  	v5 =	vadd.f32 v8, v5  }
0x60: {  	v6 =	vpop (erf)  }
0x61: {  	v5 =	vadd.f32 v5, v6  }
0x62: {  	v6 =	vpop (erf)  }
0x63: {  	v5 =	vadd.f32 v5, v6  }
0x64: {  	v6 =	vpop (erf)  }
.Ltmp0:
0x65: {  	v5 =	vadd.f32 v5, v6;
	(pc) =	sbr.rel @p0 .LBB2_2-.Ltmp0, $3  }
0x66: {  	_ = 	snop  }
0x67: {  	(erf) = vrcp.f32 v5;
	_ =	sdelay $0x1  }
0x68: {  	s10 =	sadd.s32 $0x80, s10  }
0x69: {  	_ = 	snop  }
0x6a: {  	v3 =	vand.u32 $0x380, v3  }
0x6b: {  	v3 =	vor.u32 v3, v4;
	_ =	sdelay $0x2  }
0x6c: {  	s11 =	sand.u32 $0xFFFFFC00, s10  }
0x6d: {  	s14 =	sadd.s32 s11, s9;
	v40 =	vpop (erf)  }
0x6e: {  	s29 =	sand.u32 $0x70, s9;
	s13 =	sand.u32 $0x400, s10;
	s12 =	sor.u32 $0x80, s14;
	[tilespmem:v3+s7+$0x0] =	vst.idx.msk $0xffff, v40  }
0x6f: {  	s11 =	sor.u32 s29, s13;
	v3 =	vld [tilespmem:s12+$0x0]  }
0x70: {  	v4 =	vld [tilespmem:s11+$0x0]  }
0x71: {  	s30 =	sor.u32 $0x180, s14;
	v5 =	vld [tilespmem:s11+$0x100]  }
0x72: {  	v6 =	vld [tilespmem:s30+$0x0]  }
0x73: {  	s14 =	sor.u32 $0x280, s14;
	v7 =	vld [tilespmem:s11+$0x200]  }
0x74: {  	s31 =	sor.u32 s10, s9;
	v8 =	vld [tilespmem:s14+$0x0]  }
0x75: {  	s10 =	sor.u32 $0x380, s31;
	v9 =	vld [tilespmem:s11+$0x300];
	v10 =	vmax.f32 v4, v3  }
0x76: {  	v11 =	vld [tilespmem:s10+$0x0];
	v10 =	vmax.f32 v10, v5  }
0x77: {  	v10 =	vmax.f32 v10, v6  }
0x78: {  	v10 =	vmax.f32 v10, v7  }
0x79: {  	v10 =	vmax.f32 v10, v8  }
0x7a: {  	v10 =	vmax.f32 v10, v9  }
0x7b: {  	v10 =	vmax.f32 v10, v11  }
0x7c: {  	v12 =	vsub.f32 v4, v10  }
0x7d: {  	v13 =	vsub.f32 v3, v10  }
0x7e: {  	v12 =	vmul.f32 $1.442695020e+00, v12  }
0x7f: {  	v14 =	vsub.f32 v5, v10;
	v13 =	vmul.f32 $1.442695020e+00, v13  }
0x80: {  	(erf) = vpow2.f32 v12  }
0x81: {  	v41 =	vsub.f32 v6, v10;
	v14 =	vmul.f32 $1.442695020e+00, v14;
	(erf) = vpow2.f32 v13;
	_ =	sdelay $0x1  }
0x82: {  	v42 =	vsub.f32 v7, v10;
	v12 =	vmul.f32 $1.442695020e+00, v41;
	(erf) = vpow2.f32 v14;
	_ =	sdelay $0x1  }
0x83: {  	v43 =	vsub.f32 v8, v10;
	v13 =	vmul.f32 $1.442695020e+00, v42;
	(erf) = vpow2.f32 v12;
	_ =	sdelay $0x1  }
0x84: {  	v44 =	vsub.f32 v9, v10;
	v14 =	vmul.f32 $1.442695020e+00, v43;
	(erf) = vpow2.f32 v13;
	_ =	sdelay $0x1  }
0x85: {  	v45 =	vsub.f32 v11, v10;
	v12 =	vmul.f32 $1.442695020e+00, v44;
	v15 =	vpop (erf);
	(erf) = vpow2.f32 v14  }
0x86: {  	v46 =	vpop (erf)  }
0x87: {  	v13 =	vmul.f32 $1.442695020e+00, v45;
	(erf) = vpow2.f32 v12;
	v14 =	vadd.f32 v46, v15  }
0x88: {  	v47 =	vpop (erf)  }
0x89: {  	(erf) = vpow2.f32 v13;
	v12 =	vadd.f32 v14, v47  }
0x8a: {  	v48 =	vpop (erf)  }
0x8b: {  	v12 =	vadd.f32 v12, v48  }
0x8c: {  	v49 =	vpop (erf)  }
0x8d: {  	v12 =	vadd.f32 v12, v49  }
0x8e: {  	vm0 =	veq.f32 v11, v10;
	v50 =	vpop (erf)  }
0x8f: {  	vm1 =	veq.f32 v9, v10;
	v51 =	vsel vm0, $0x7, v0;
	v11 =	vadd.f32 v12, v50  }
0x90: {  	vm11 =	veq.f32 v8, v10;
	v52 =	vsel vm1, $0x6, v51;
	v53 =	vpop (erf)  }
0x91: {  	vm12 =	veq.f32 v7, v10;
	v54 =	vsel vm11, $0x5, v52;
	v55 =	vadd.f32 v11, v53  }
0x92: {  	vm13 =	veq.f32 v6, v10;
	v56 =	vsel vm12, $0x4, v54;
	v57 =	vpop (erf)  }
0x93: {  	vm14 =	veq.f32 v5, v10;
	v58 =	vsel vm13, $0x3, v56;
	v59 =	vadd.f32 v55, v57  }
0x94: {  	v60 =	vmov s9;
	vm15 =	veq.f32 v3, v10;
	v3 =	vsel vm14, $0x2, v58  }
0x95: {  	vm2 =	veq.f32 v4, v10;
	v3 =	vsel vm15, $0x1, v3;
	(erf) = vrcp.f32 v59  }
0x96: {  	v61 =	vor.u32 s9, v1;
	v4 =	vshll.u32 v60, $0x3;
	v3 =	vsel vm2, $0x0, v3  }
0x97: {  	[tilespmem:s11+$0x800] =	vst v2;
	v5 =	vand.u32 $0x7F, v61;
	v4 =	vand.u32 $0x400, v4;
	v62 =	vshll.u32 v3, $0x8  }
0x98: {  	[tilespmem:s12+$0x800] =	vst v2;
	v4 =	vor.u32 v4, v5;
	v3 =	vshll.u32 v3, $0x7;
	v6 =	vand.u32 $0x7FFFF800, v62  }
0x99: {  	[tilespmem:s11+$0x900] =	vst v2;
	v3 =	vand.u32 $0x380, v3;
	v4 =	vor.u32 v6, v4  }
0x9a: {  	[tilespmem:s30+$0x800] =	vst v2;
	v3 =	vor.u32 v3, v4  }
0x9b: {  	[tilespmem:s11+$0xA00] =	vst v2  }
0x9c: {  	[tilespmem:s14+$0x800] =	vst v2  }
0x9d: {  	s8 =	sadd.s32 $0x1, s8;
	[tilespmem:s11+$0xB00] =	vst v2  }
0x9e: {  	p0 =	sne.s32 s8, s5;
	[tilespmem:s10+$0x800] =	vst v2;
	v63 =	vpop (erf)  }
.Ltmp1:
0x9f: {  	[tilespmem:v3+s7+$0x0] =	vst.idx.msk $0xffff, v63;
	(pc) =	sbr.rel @p0 .LBB2_1-.Ltmp1, $4  }
0xa0: {  	[hbm4b:s4+s2] =	stream.linear.scatter [tilespmem:s7], [sflag:$0x1], $0x800, $0x38;
	[tilespmem:$0x1000] =	vst v63  }
0xa1: {  	_ =	swait.ge [sflag:s6], $0x800  }
0xa2: {  	[sflag:s6] =	ssyncset.done $0x0  }
0xa3: {  	[sflag:s6] =	ssyncadd.s32 $0xFFFFF800  }
0xa4: {  	_ =	sfence.sel $0x180000  }
0xa5: {  	[bflag:$0x0] =	sbarrier.arrive $0xFFFF  }
0xa6: {  	p0 =	sne.s32 s1, $0x0;
	_ =	strace $0x9000004D  }
0xa7: {  	s0 =	sadd.s32 @!p0 $0x100000, s0;
	[bflag:$0x2] =	sbarrier.arrive $0xFFFF  }
0xa8: {  	[sflag:s0] =	ssyncadd.tile.s32 @!p0 $0x1;
	_ =	shalt  }
.Lfunc_end2:
_tile_overlayer_lowered:
.L_overlay_start_2:
0xa9: {  	(tag) =	ssettag $0x2  }
0xaa: {  	s0 =	rddreg [dreg:$0x0];
	s2 =	stileid.u32  }
0xab: {  	s1 =	rddreg [dreg:$0x1];
	p0 =	sne.s32 s2, $0x0  }
0xac: {  	s3 =	rddreg [dreg:$0x2];
	[bflag:$0x3] =	sbarrier.arrive $0xFFFF;
	s2 =	simm.s32 @!p0 $0x1C01  }
0xad: {  	[timem:s3], [sflag:s2] =	dma.local @!p0 [hbm:s0], s1  }
0xae: {  	s0 =	simm.s32 @!p0 $0x1  }
0xaf: {  	_ =	swait.ge @!p0 [sflag:s0], s1  }
0xb0: {  	s1 =	ssub.s32 @!p0 $0x0, s1;
	[sflag:s0] =	ssyncset.done @!p0 $0x0  }
0xb1: {  	[sflag:s0] =	ssyncadd.s32 @!p0 s1  }
0xb2: {  	[bflag:$0x3] =	sbarrier.arrive $0xFFFF  }
0xb3: {  	_ =	shalt  }

// kernel: kernel.19.cloned.1.call-start
scs
__scs_entry_jumppad:
0x0: {  	(pc) =	sbr.rel $0x88, $3  }
0x1: {  	(tag) =	ssettag $0x0;
	lr =	simm.s32 $0x1  }
0x2: {  	[smem:$0x3F9E] =	sst lr;
	_ =	strace $0xD0000000  }
0x3: {  	_ = 	snop  }
0x4: {  	_ = 	snop  }
0x5: {  	_ = 	snop  }
0x6: {  	_ = 	snop  }
0x7: {  	_ = 	snop  }
__scs_overlays_trampoline_lowered:
0x8: {  	[smem:$0x3FAD] =	sst s0  }
0x9: {  	[smem:$0x3FAE] =	sst s1  }
0xa: {  	[smem:$0x3FAF] =	sst s2  }
0xb: {  	[smem:$0x3FB0] =	sst s3  }
0xc: {  	[smem:$0x3FB1] =	sst s4  }
0xd: {  	[smem:$0x3FB2] =	sst s5  }
0xe: {  	[smem:$0x3FB3] =	sst s6  }
0xf: {  	[smem:$0x3FB4] =	sst s7  }
0x10: {  	[smem:$0x3FB5] =	sst s8  }
0x11: {  	[smem:$0x3FB6] =	sst s9;
	s0 =	simm.s32 @!p0 $0x0  }
0x12: {  	s1 =	sld [smem:$0x3F9C];
	s0 =	simm.s32 @p0 $0x1  }
0x13: {  	[smem:$0x3FB7] =	sst s0;
	s0 =	simm.s32 @!p1 $0x0  }
0x14: {  	s2 =	sld [smem:$0x3F9B];
	s0 =	simm.s32 @p1 $0x1  }
0x15: {  	[smem:$0x3FB8] =	sst s0;
	s0 =	simm.s32 @!p2 $0x0  }
0x16: {  	s3 =	sld [smem:$0x3FDB];
	s0 =	simm.s32 @p2 $0x1  }
0x17: {  	s4 =	simm.s32 $0x1BF5;
	[smem:$0x3FBA] =	sst s0  }
0x18: {  	s0 =	sld [smem:$0x3F9D];
	_ =	swait.ge [sflag:s4], $0x0  }
0x19: {  	s7 =	sld [smem:$0x3F9E]  }
0x1a: {  	s8 =	sadd.s32 $0xFFFFE003, lr  }
0x1b: {  	s9 =	sadd.s32 $0xFFFFFEF7, lr;
	s5 =	simm.s32 $0xFFFFFFFF;
	p2 =	slt.u32 s8, $0xFFFFF086  }
0x1c: {  	p1 =	slt.u32 s9, $0xF7A;
	s5 =	simm.s32 @!p2 $0x0  }
0x1d: {  	s5 =	simm.s32 @p1 $0x1;
	p0 =	seq.s32 s7, s2  }
0x1e: {  	s7 =	smul.u32 @!p0 $0xF7A, s2;
	p2 =	seq.s32 @!p0 s5, $0x0  }
0x1f: {  	s9 =	smul.u32 $0xF7A, s1;
	s8 =	simm.s32 @!p0 $0x1BF5;
	p2 =	por !p2, p0  }
0x20: {  	[sflag:s8] =	ssyncset.s32 @!p0 $0xFFFFF086;
	s6 =	sadd.s32 @!p0 s3, s7;
	s7 =	simm.s32 @!p0 $0x108  }
0x21: {  	s3 =	sadd.s32 s3, s9;
	s6 =	sadd.s32 @!p0 $0x88, s6;
	s7 =	simm.s32 @p2 $0x1082  }
0x22: {  	[simem:s7], [sflag:s8] =	dma.local @!p0 [hbm:s6], $0xF7A  }
0x23: {  	s9 =	sor.u32 $0xD0000000, s2;
	s6 =	simm.s32 $0x108;
	_ =	swait.ge @!p0 [sflag:s8], $0x0  }
0x24: {  	s3 =	sadd.s32 $0x88, s3;
	s6 =	simm.s32 @!p1 $0x1082;
	[sflag:s4] =	ssyncset.s32 $0xFFFFF086  }
0x25: {  	[simem:s6], [sflag:s4] =	dma.local [hbm:s3], $0xF7A  }
0x26: {  	[smem:$0x3F9E] =	sst s1;
	(tag) =	ssettag s2;
	_ =	strace s9  }
0x27: {  	s1 =	sld [smem:$0x3FAE]  }
0x28: {  	s2 =	sld [smem:$0x3FAF]  }
0x29: {  	s4 =	sld [smem:$0x3FB1]  }
0x2a: {  	p0 =	seq.s32 s5, $0x0;
	s5 =	sld [smem:$0x3FB2]  }
0x2b: {  	s6 =	sld [smem:$0x3FB3]  }
0x2c: {  	s7 =	sld [smem:$0x3FB4]  }
0x2d: {  	s3 =	simm.s32 $0x108;
	s8 =	sld [smem:$0x3FB5]  }
0x2e: {  	s3 =	simm.s32 @!p0 $0x1082;
	s9 =	sld [smem:$0x3FB6]  }
0x2f: {  	lr =	sadd.s32 s0, s3;
	s0 =	sld [smem:$0x3FAD]  }
0x30: {  	s3 =	sld [smem:$0x3FB0]  }
0x31: {  	[smem:$0x3FB9] =	sst s10  }
0x32: {  	s10 =	sld [smem:$0x3FB7];
	_ =	sdelay $0x3  }
0x33: {  	p0 =	seq.s32 s10, $0x1;
	s10 =	sld [smem:$0x3FB9];
	_ =	sdelay $0x3  }
0x34: {  	[smem:$0x3FB9] =	sst s10  }
0x35: {  	s10 =	sld [smem:$0x3FB8];
	_ =	sdelay $0x3  }
0x36: {  	p1 =	seq.s32 s10, $0x1;
	s10 =	sld [smem:$0x3FB9];
	_ =	sdelay $0x3  }
0x37: {  	[smem:$0x3FB9] =	sst s10  }
0x38: {  	s10 =	sld [smem:$0x3FBA]  }
0x39: {  	_ = 	snop;
	(pc) =	sbr.ind lr, $3  }
0x3a: {  	_ = 	snop  }
0x3b: {  	_ = 	snop  }
0x3c: {  	p2 =	seq.s32 s10, $0x1;
	s10 =	sld [smem:$0x3FB9]  }
0x3d: {  	_ =	shalt  }
0x3e: {  	_ =	shalt  }
0x3f: {  	_ =	shalt  }
0x40: {  	_ =	shalt  }
0x41: {  	_ =	shalt  }
0x42: {  	_ =	shalt  }
0x43: {  	_ =	shalt  }
0x44: {  	_ =	shalt  }
0x45: {  	_ =	shalt  }
0x46: {  	_ =	shalt  }
0x47: {  	_ =	shalt  }
0x48: {  	_ =	shalt  }
0x49: {  	_ =	shalt  }
0x4a: {  	_ =	shalt  }
0x4b: {  	_ =	shalt  }
0x4c: {  	_ =	shalt  }
0x4d: {  	_ =	shalt  }
0x4e: {  	_ =	shalt  }
0x4f: {  	_ =	shalt  }
0x50: {  	_ =	shalt  }
0x51: {  	_ =	shalt  }
0x52: {  	_ =	shalt  }
0x53: {  	_ =	shalt  }
0x54: {  	_ =	shalt  }
0x55: {  	_ =	shalt  }
0x56: {  	_ =	shalt  }
0x57: {  	_ =	shalt  }
0x58: {  	_ =	shalt  }
0x59: {  	_ =	shalt  }
0x5a: {  	_ =	shalt  }
0x5b: {  	_ =	shalt  }
0x5c: {  	_ =	shalt  }
0x5d: {  	_ =	shalt  }
0x5e: {  	_ =	shalt  }
0x5f: {  	_ =	shalt  }
0x60: {  	_ =	shalt  }
0x61: {  	_ =	shalt  }
0x62: {  	_ =	shalt  }
0x63: {  	_ =	shalt  }
0x64: {  	_ =	shalt  }
0x65: {  	_ =	shalt  }
0x66: {  	_ =	shalt  }
0x67: {  	_ =	shalt  }
0x68: {  	_ =	shalt  }
0x69: {  	_ =	shalt  }
0x6a: {  	_ =	shalt  }
0x6b: {  	_ =	shalt  }
0x6c: {  	_ =	shalt  }
0x6d: {  	_ =	shalt  }
0x6e: {  	_ =	shalt  }
0x6f: {  	_ =	shalt  }
0x70: {  	_ =	shalt  }
0x71: {  	_ =	shalt  }
0x72: {  	_ =	shalt  }
0x73: {  	_ =	shalt  }
0x74: {  	_ =	shalt  }
0x75: {  	_ =	shalt  }
0x76: {  	_ =	shalt  }
0x77: {  	_ =	shalt  }
0x78: {  	_ =	shalt  }
0x79: {  	_ =	shalt  }
0x7a: {  	_ =	shalt  }
0x7b: {  	_ =	shalt  }
0x7c: {  	_ =	shalt  }
0x7d: {  	_ =	shalt  }
0x7e: {  	_ =	shalt  }
0x7f: {  	_ =	shalt  }
0x80: {  	_ =	shalt  }
0x81: {  	_ =	shalt  }
0x82: {  	_ =	shalt  }
0x83: {  	_ =	shalt  }
0x84: {  	_ =	shalt  }
0x85: {  	_ =	shalt  }
0x86: {  	_ =	shalt  }
0x87: {  	_ =	shalt  }
.Lfunc_end0:
.L_simem_size_0:
called_computation.3_lowered:
.L_overlay_start_0:
0x88: {  	s2 =	sld [smem:$0x3FD9]  }
0x89: {  	s3 =	sld [smem:$0x3FFE];
	_ =	sdelay $0x1  }
0x8a: {  	s1 =	srdreg.scid  }
0x8b: {  	s0 =	sand.u32 $0x1, s1  }
0x8c: {  	s17 =	sshll.u32 s0, $0xA;
	s2 =	sadd.s32 s3, s2  }
0x8d: {  	s2 =	sadd.s32 s2, s17  }
0x8e: {  	[smem:$0x3FC5] =	sst s2  }
0x8f: {  	_ = 	snop  }
0x90: {  	s2 =	sld [smem:$0x3FD0];
	(tm) =	ssettm $0x1  }
0x91: {  	s18 =	sld [smem:$0x3FFB];
	_ =	sdelay $0x3  }
0x92: {  	_ =	strace s18  }
0x93: {  	s3 =	sld [smem:$0x3FFC];
	_ =	sdelay $0x3  }
0x94: {  	_ =	strace s3  }
0x95: {  	s3 =	sld [smem:$0x3FFD];
	_ =	sdelay $0x3  }
0x96: {  	_ =	strace s3  }
0x97: {  	_ =	strace $0x8FFFFFFF  }
0x98: {  	s19 =	sld [smem:$0x3FDB];
	_ =	sdelay $0x1  }
0x99: {  	s4 =	simm.s32 $_scs_section_size  }
0x9a: {  	s5 =	simm.s32 $_size__tile_overlayer_lowered;
	s6 =	simm.s32 $_tile_overlayer_lowered  }
0x9b: {  	s22 =	simm.s32 $0x1BFF;
	s21 =	sshll.u32 s6, $0x1;
	s3 =	sadd.s32 s4, s19  }
0x9c: {  	s7 =	simm.s32 $0x0;
	s20 =	sshll.u32 s5, $0x1;
	s5 =	sadd.s32 s21, s3  }
0x9d: {  	[timem:s7], [sflag:s22] =	dma.local [hbm:s5], s20  }
0x9e: {  	_ =	swait.ge [sflag:s22], s20  }
0x9f: {  	s4 =	ssub.s32 $0x0, s20;
	[sflag:s22] =	ssyncset.done $0x0  }
0xa0: {  	[sflag:s22] =	ssyncadd.s32 s4;
	_ =	sdelay $0x1  }
0xa1: {  	s23 =	simm.s32 $0x1B8B  }
0xa2: {  	_ =	swait.ge [sflag:s23], $0x1  }
0xa3: {  	[sflag:s23] =	ssyncset.done $0x0  }
0xa4: {  	s25 =	simm.s32 $0x1B8E;
	s24 =	sld [smem:$0x3FFE];
	[sflag:s23] =	ssyncadd.s32 $0xFFFFFFFF  }
0xa5: {  	s26 =	simm.s32 $execute0_lowered;
	[smem:$0x3FD2] =	sst s25  }
0xa6: {  	s5 =	sshll.u32 s26, $0x1;
	_ =	strace $0x8000004F;
	[dreg:$0x1] =	wrdreg $0xFFFFFFFF  }
0xa7: {  	s28 =	simm.s32 $_size_execute0_lowered;
	s3 =	sadd.s32 s3, s5;
	[dreg:$0x0] =	wrdreg $0x0  }
0xa8: {  	s5 =	sshll.u32 s28, $0x1;
	[dreg:$0x2] =	wrdreg s3  }
0xa9: {  	[dreg:$0x3] =	wrdreg s5  }
0xaa: {  	[dreg:$0x4] =	wrdreg $0xC0  }
0xab: {  	_ =	task [dreg:s7], $0x5FFFF  }
0xac: {  	[dreg:$0x1] =	wrdreg $0xFFFFFFFF  }
0xad: {  	[dreg:$0x0] =	wrdreg $0x60  }
0xae: {  	[dreg:$0x2] =	wrdreg s24  }
0xaf: {  	[dreg:$0x3] =	wrdreg s2  }
0xb0: {  	[dreg:$0x4] =	wrdreg $0x9  }
0xb1: {  	_ =	task.clear_ibuf [dreg:s7], $0x5FFFF;
	_ =	strace $0x9000004F  }
0xb2: {  	s29 =	simm.s32 $0x9;
	_ =	strace $0x80000051  }
0xb3: {  	_ =	swait.ge [sflag:s29], $0x1  }
0xb4: {  	[sflag:s29] =	ssyncadd.s32 $0xFFFFFFFF  }
0xb5: {  	_ =	strace $0x90000051  }
0xb6: {  	_ =	sfence  }
0xb7: {  	s30 =	sld [smem:$0x0];
	_ =	sdelay $0x2  }
0xb8: {  	s31 =	sshll.u32 s1, $0xD;
	s1 =	sshrl.u32 s1, $0x2  }
0xb9: {  	s3 =	sand.u32 $0x4000, s31;
	s1 =	sadd.s32 s1, s30  }
0xba: {  	s0 =	sor.u32 s3, s0;
	s1 =	sshll.u32 s1, $0x11  }
0xbb: {  	s0 =	sor.u32 s1, s0  }
0xbc: {  	s0 =	sadd.s32 $0x8F2B, s0  }
0xbd: {  	[sflag:s0] =	ssyncadd.remote.s32 $0x1  }
0xbe: {  	_ =	sfence.sel $0xFFFF  }
0xbf: {  	[dreg:$0x0] =	wrdreg $0xFFFFFFFF;
	(pc) =	sbr.abs _section_cstart, $3  }
0xc0: {  	[dreg:$0x1] =	wrdreg $0xFFFFFFFF  }
0xc1: {  	_ =	task.clear_ibuf [dreg:s7], $0x2FFFF;
	_ =	strace $0x9FFFFFFF  }
0xc2: {  	(tm) =	ssettm $0x7FFFFFFF  }
0xc3: {  	_ =	shalt  }
tec
execute0_lowered:
.L_overlay_start_1:
0x0: {  	(tag) =	ssettag $0x1  }
0x1: {  	s3 =	rddreg [dreg:$0x0]  }
0x2: {  	s4 =	rddreg [dreg:$0x1]  }
0x3: {  	s0 =	rddreg [dreg:$0x2];
	s2 =	simm.s32 $0x0;
	s5 =	srdreg.scid  }
0x4: {  	s1 =	stileid.u32;
	s8 =	simm.s32 $0x0;
	s5 =	sand.u32 $0x1, s5  }
0x5: {  	[smem:$0x7FF] =	sst s2;
	s6 =	sshll.u32 s1, $0x9;
	s7 =	sshll.u32 s5, $0x8  }
0x6: {  	s5 =	ssub.s32 $0x2, s5;
	_ =	strace $0x80000050;
	s6 =	sor.u32 s7, s6  }
0x7: {  	s31 =	sshrl.u32 s5, $0x1;
	s7 =	simm.s32 $0x800;
	s3 =	sadd.s32 s6, s3  }
0x8: {  	s5 =	ssub.s32 s5, s31;
	s4 =	sadd.s32 s6, s4;
	s6 =	simm.s32 $0x1  }
0x9: {  	v0 =	vimm.s32 $0x8;
	v1 =	vlaneseq.u32;
	v2 =	vimm.f32 $0.0e+00;
	s3 =	sadd.s32 $0x3C00, s3;
	s4 =	sadd.s32 $0x6000, s4;
	s5 =	smax.u32 s5, $0x1  }
.LBB2_1:
0xa: {  	[tilespmem:s2], [sflag:$0x1] =	stream.linear.gather [hbm4b:s3+s2], $0x800, $0x38;
	[tilespmem:$0x1000] =	vst v63  }
0xb: {  	s9 =	sand.u32 $0xFFFFFC00, s2;
	_ =	swait.ge [sflag:s6], $0x800  }
0xc: {  	s29 =	sand.u32 $0x70, s2;
	s10 =	sadd.s32 $0x0, s9;
	[sflag:s6] =	ssyncset.done $0x0  }
0xd: {  	s11 =	sand.u32 $0x400, s2;
	s13 =	sor.u32 $0x80, s10;
	[sflag:s6] =	ssyncadd.s32 $0xFFFFF800  }
0xe: {  	s9 =	sor.u32 s29, s11;
	v3 =	vld [tilespmem:s13+$0x0]  }
0xf: {  	v4 =	vld [tilespmem:s9+$0x0]  }
0x10: {  	s12 =	sor.u32 $0x180, s10;
	v5 =	vld [tilespmem:s9+$0x100]  }
0x11: {  	v6 =	vld [tilespmem:s12+$0x0]  }
0x12: {  	s30 =	sor.u32 $0x280, s10;
	v7 =	vld [tilespmem:s9+$0x200]  }
0x13: {  	s31 =	sor.u32 s2, s2;
	v8 =	vld [tilespmem:s30+$0x0]  }
0x14: {  	s10 =	sor.u32 $0x380, s31;
	v9 =	vld [tilespmem:s9+$0x300];
	v10 =	vmax.f32 v4, v3  }
0x15: {  	v11 =	vld [tilespmem:s10+$0x0];
	v10 =	vmax.f32 v10, v5  }
0x16: {  	v10 =	vmax.f32 v10, v6  }
0x17: {  	v10 =	vmax.f32 v10, v7  }
0x18: {  	v10 =	vmax.f32 v10, v8  }
0x19: {  	v10 =	vmax.f32 v10, v9  }
0x1a: {  	v10 =	vmax.f32 v10, v11  }
0x1b: {  	v12 =	vsub.f32 v4, v10  }
0x1c: {  	v13 =	vsub.f32 v3, v10  }
0x1d: {  	v12 =	vmul.f32 $1.442695020e+00, v12  }
0x1e: {  	v14 =	vsub.f32 v5, v10;
	v13 =	vmul.f32 $1.442695020e+00, v13  }
0x1f: {  	(erf) = vpow2.f32 v12  }
0x20: {  	v50 =	vsub.f32 v6, v10;
	v14 =	vmul.f32 $1.442695020e+00, v14;
	(erf) = vpow2.f32 v13;
	_ =	sdelay $0x1  }
0x21: {  	v51 =	vsub.f32 v7, v10;
	v12 =	vmul.f32 $1.442695020e+00, v50;
	(erf) = vpow2.f32 v14;
	_ =	sdelay $0x1  }
0x22: {  	v52 =	vsub.f32 v8, v10;
	v13 =	vmul.f32 $1.442695020e+00, v51;
	(erf) = vpow2.f32 v12;
	_ =	sdelay $0x1  }
0x23: {  	v53 =	vsub.f32 v9, v10;
	v14 =	vmul.f32 $1.442695020e+00, v52;
	(erf) = vpow2.f32 v13;
	_ =	sdelay $0x1  }
0x24: {  	v54 =	vsub.f32 v11, v10;
	v12 =	vmul.f32 $1.442695020e+00, v53;
	v15 =	vpop (erf);
	(erf) = vpow2.f32 v14  }
0x25: {  	vm0 =	veq.f32 v11, v10;
	v55 =	vpop (erf)  }
0x26: {  	v13 =	vmul.f32 $1.442695020e+00, v54;
	(erf) = vpow2.f32 v12;
	v14 =	vadd.f32 v55, v15  }
0x27: {  	vm1 =	veq.f32 v9, v10;
	vm10 =	veq.f32 v8, v10;
	v58 =	vsel vm0, $0x7, v0;
	v56 =	vpop (erf)  }
0x28: {  	v60 =	vsel vm1, $0x6, v58;
	(erf) = vpow2.f32 v13;
	v57 =	vadd.f32 v14, v56  }
0x29: {  	vm11 =	veq.f32 v7, v10;
	v7 =	vsel vm10, $0x5, v60;
	v59 =	vpop (erf)  }
0x2a: {  	vm12 =	veq.f32 v6, v10;
	v6 =	vsel vm11, $0x4, v7;
	v61 =	vadd.f32 v57, v59  }
0x2b: {  	v62 =	vpop (erf)  }
0x2c: {  	v7 =	vadd.f32 v61, v62  }
0x2d: {  	vm13 =	veq.f32 v5, v10;
	v5 =	vsel vm12, $0x3, v6;
	v6 =	vpop (erf)  }
0x2e: {  	[tilespmem:s9+$0x800] =	vst v2;
	vm14 =	veq.f32 v3, v10;
	v3 =	vsel vm13, $0x2, v5;
	v5 =	vadd.f32 v7, v6  }
0x2f: {  	[tilespmem:s13+$0x800] =	vst v2;
	vm15 =	veq.f32 v4, v10;
	v4 =	vpop (erf)  }
0x30: {  	[tilespmem:s9+$0x900] =	vst v2;
	v3 =	vsel vm14, $0x1, v3;
	v4 =	vadd.f32 v5, v4  }
0x31: {  	[tilespmem:s12+$0x800] =	vst v2;
	v3 =	vsel vm15, $0x0, v3;
	v6 =	vmov s2;
	v63 =	vpop (erf)  }
0x32: {  	[tilespmem:s9+$0xA00] =	vst v2;
	v6 =	vshll.u32 v6, $0x3;
	v5 =	vor.u32 s2, v1;
	v8 =	vadd.f32 v4, v63  }
0x33: {  	[tilespmem:s30+$0x800] =	vst v2;
	v7 =	vshll.u32 v3, $0x8;
	v6 =	vand.u32 $0x400, v6;
	v5 =	vand.u32 $0x7F, v5  }
0x34: {  	[tilespmem:s9+$0xB00] =	vst v2;
	v4 =	vand.u32 $0x7FFFF800, v7;
	v5 =	vor.u32 v6, v5;
	(erf) = vrcp.f32 v8  }
0x35: {  	s11 =	simm.s32 $0x20;
	s9 =	simm.s32 $0x10;
	[tilespmem:s10+$0x800] =	vst v2;
	s10 =	simm.s32 $0x80;
	v3 =	vshll.u32 v3, $0x7;
	v4 =	vor.u32 v4, v5  }
.LBB2_2:
0x36: {  	p0 =	sne.s32 s11, $0xF0  }
0x37: {  	s13 =	sand.u32 $0xFFFFFC00, s10;
	s12 =	smov.u32 s11;
	s11 =	sadd.s32 $0x10, s11  }
0x38: {  	v3 =	vand.u32 $0x380, v3;
	s13 =	sadd.s32 s13, s9  }
0x39: {  	v3 =	vor.u32 v3, v4;
	s14 =	sor.u32 $0x80, s13;
	s15 =	sor.u32 $0x180, s13;
	s13 =	sor.u32 $0x280, s13  }
0x3a: {  	_ =	sdelay $0x2  }
0x3b: {  	v4 =	vpop (erf)  }
0x3c: {  	s16 =	sand.u32 $0x70, s9;
	s17 =	sand.u32 $0x400, s10;
	[tilespmem:v3+s7+$0x0] =	vst.idx.msk $0xffff, v4  }
0x3d: {  	s16 =	sor.u32 s16, s17;
	v3 =	vld [tilespmem:s14+$0x0]  }
0x3e: {  	v4 =	vld [tilespmem:s16+$0x0]  }
0x3f: {  	v5 =	vld [tilespmem:s16+$0x100]  }
0x40: {  	v6 =	vld [tilespmem:s15+$0x0]  }
0x41: {  	v7 =	vld [tilespmem:s16+$0x200]  }
0x42: {  	s17 =	sor.u32 s10, s9;
	v8 =	vld [tilespmem:s13+$0x0]  }
0x43: {  	s17 =	sor.u32 $0x380, s17;
	v9 =	vld [tilespmem:s16+$0x300];
	v10 =	vmax.f32 v4, v3  }
0x44: {  	v11 =	vld [tilespmem:s17+$0x0];
	v10 =	vmax.f32 v10, v5  }
0x45: {  	v10 =	vmax.f32 v10, v6;
	[tilespmem:s16+$0x800] =	vst v2  }
0x46: {  	v10 =	vmax.f32 v10, v7;
	[tilespmem:s14+$0x800] =	vst v2  }
0x47: {  	v10 =	vmax.f32 v10, v8;
	[tilespmem:s16+$0x900] =	vst v2  }
0x48: {  	v10 =	vmax.f32 v10, v9;
	[tilespmem:s15+$0x800] =	vst v2  }
0x49: {  	v10 =	vmax.f32 v10, v11;
	[tilespmem:s16+$0xA00] =	vst v2  }
0x4a: {  	v12 =	vsub.f32 v4, v10;
	v13 =	vsub.f32 v6, v10;
	vm0 =	veq.f32 v7, v10;
	[tilespmem:s13+$0x800] =	vst v2  }
0x4b: {  	v14 =	vsub.f32 v3, v10;
	v15 =	vsub.f32 v5, v10;
	vm1 =	veq.f32 v9, v10;
	[tilespmem:s16+$0xB00] =	vst v2  }
0x4c: {  	vm2 =	veq.f32 v11, v10;
	v12 =	vmul.f32 $1.442695020e+00, v12;
	v13 =	vmul.f32 $1.442695020e+00, v13;
	[tilespmem:s17+$0x800] =	vst v2  }
0x4d: {  	v16 =	vsub.f32 v8, v10;
	v14 =	vmul.f32 $1.442695020e+00, v14;
	v15 =	vmul.f32 $1.442695020e+00, v15  }
0x4e: {  	v7 =	vsub.f32 v7, v10;
	v9 =	vsub.f32 v9, v10;
	(erf) = vpow2.f32 v12  }
0x4f: {  	v11 =	vsub.f32 v11, v10;
	v12 =	vmul.f32 $1.442695020e+00, v16;
	(erf) = vpow2.f32 v14  }
0x50: {  	v7 =	vmul.f32 $1.442695020e+00, v7;
	v9 =	vmul.f32 $1.442695020e+00, v9;
	v14 =	vsel vm2, $0x7, v0  }
0x51: {  	vm2 =	veq.f32 v8, v10;
	v8 =	vmul.f32 $1.442695020e+00, v11;
	(erf) = vpow2.f32 v15  }
0x52: {  	vm3 =	veq.f32 v6, v10;
	v6 =	vsel vm1, $0x6, v14  }
0x53: {  	vm4 =	veq.f32 v5, v10;
	vm1 =	veq.f32 v3, v10;
	(erf) = vpow2.f32 v13  }
0x54: {  	vm5 =	veq.f32 v4, v10;
	v3 =	vsel vm2, $0x5, v6  }
0x55: {  	v3 =	vsel vm0, $0x4, v3;
	(erf) = vpow2.f32 v7  }
0x56: {  	v3 =	vsel vm3, $0x3, v3  }
0x57: {  	v3 =	vsel vm4, $0x2, v3;
	v4 =	vpop (erf);
	(erf) = vpow2.f32 v12  }
0x58: {  	v5 =	vmov s9;
	v6 =	vor.u32 s9, v1;
	s9 =	smov.u32 s12;
	v3 =	vsel vm1, $0x1, v3;
	v7 =	vpop (erf)  }
0x59: {  	v3 =	vsel vm5, $0x0, v3;
	v4 =	vadd.f32 v7, v4;
	(erf) = vpow2.f32 v9  }
0x5a: {  	v5 =	vshll.u32 v5, $0x3;
	v7 =	vshll.u32 v3, $0x8;
	v3 =	vshll.u32 v3, $0x7;
	v9 =	vpop (erf)  }
0x5b: {  	v7 =	vand.u32 $0x7FFFF800, v7;
	v4 =	vadd.f32 v4, v9;
	(erf) = vpow2.f32 v8  }
0x5c: {  	v6 =	vand.u32 $0x7F, v6;
	v9 =	vand.u32 $0x400, v5;
	v8 =	vpop (erf)  }
0x5d: {  	v8 =	vadd.f32 v4, v8;
	v4 =	vor.u32 v9, v6  }
0x5e: {  	v4 =	vor.u32 v7, v4;
	v5 =	vpop (erf)  }
0x5f: {  	v5 =	vadd.f32 v8, v5  }
0x60: {  	v6 =	vpop (erf)  }
0x61: {  	v5 =	vadd.f32 v5, v6  }
0x62: {  	v6 =	vpop (erf)  }
0x63: {  	v5 =	vadd.f32 v5, v6  }
0x64: {  	v6 =	vpop (erf)  }
.Ltmp0:
0x65: {  	v5 =	vadd.f32 v5, v6;
	(pc) =	sbr.rel @p0 .LBB2_2-.Ltmp0, $3  }
0x66: {  	_ = 	snop  }
0x67: {  	(erf) = vrcp.f32 v5;
	_ =	sdelay $0x1  }
0x68: {  	s10 =	sadd.s32 $0x80, s10  }
0x69: {  	_ = 	snop  }
0x6a: {  	v3 =	vand.u32 $0x380, v3  }
0x6b: {  	v3 =	vor.u32 v3, v4;
	_ =	sdelay $0x2  }
0x6c: {  	s11 =	sand.u32 $0xFFFFFC00, s10  }
0x6d: {  	s14 =	sadd.s32 s11, s9;
	v40 =	vpop (erf)  }
0x6e: {  	s29 =	sand.u32 $0x70, s9;
	s13 =	sand.u32 $0x400, s10;
	s12 =	sor.u32 $0x80, s14;
	[tilespmem:v3+s7+$0x0] =	vst.idx.msk $0xffff, v40  }
0x6f: {  	s11 =	sor.u32 s29, s13;
	v3 =	vld [tilespmem:s12+$0x0]  }
0x70: {  	v4 =	vld [tilespmem:s11+$0x0]  }
0x71: {  	s30 =	sor.u32 $0x180, s14;
	v5 =	vld [tilespmem:s11+$0x100]  }
0x72: {  	v6 =	vld [tilespmem:s30+$0x0]  }
0x73: {  	s14 =	sor.u32 $0x280, s14;
	v7 =	vld [tilespmem:s11+$0x200]  }
0x74: {  	s31 =	sor.u32 s10, s9;
	v8 =	vld [tilespmem:s14+$0x0]  }
0x75: {  	s10 =	sor.u32 $0x380, s31;
	v9 =	vld [tilespmem:s11+$0x300];
	v10 =	vmax.f32 v4, v3  }
0x76: {  	v11 =	vld [tilespmem:s10+$0x0];
	v10 =	vmax.f32 v10, v5  }
0x77: {  	v10 =	vmax.f32 v10, v6  }
0x78: {  	v10 =	vmax.f32 v10, v7  }
0x79: {  	v10 =	vmax.f32 v10, v8  }
0x7a: {  	v10 =	vmax.f32 v10, v9  }
0x7b: {  	v10 =	vmax.f32 v10, v11  }
0x7c: {  	v12 =	vsub.f32 v4, v10  }
0x7d: {  	v13 =	vsub.f32 v3, v10  }
0x7e: {  	v12 =	vmul.f32 $1.442695020e+00, v12  }
0x7f: {  	v14 =	vsub.f32 v5, v10;
	v13 =	vmul.f32 $1.442695020e+00, v13  }
0x80: {  	(erf) = vpow2.f32 v12  }
0x81: {  	v41 =	vsub.f32 v6, v10;
	v14 =	vmul.f32 $1.442695020e+00, v14;
	(erf) = vpow2.f32 v13;
	_ =	sdelay $0x1  }
0x82: {  	v42 =	vsub.f32 v7, v10;
	v12 =	vmul.f32 $1.442695020e+00, v41;
	(erf) = vpow2.f32 v14;
	_ =	sdelay $0x1  }
0x83: {  	v43 =	vsub.f32 v8, v10;
	v13 =	vmul.f32 $1.442695020e+00, v42;
	(erf) = vpow2.f32 v12;
	_ =	sdelay $0x1  }
0x84: {  	v44 =	vsub.f32 v9, v10;
	v14 =	vmul.f32 $1.442695020e+00, v43;
	(erf) = vpow2.f32 v13;
	_ =	sdelay $0x1  }
0x85: {  	v45 =	vsub.f32 v11, v10;
	v12 =	vmul.f32 $1.442695020e+00, v44;
	v15 =	vpop (erf);
	(erf) = vpow2.f32 v14  }
0x86: {  	v46 =	vpop (erf)  }
0x87: {  	v13 =	vmul.f32 $1.442695020e+00, v45;
	(erf) = vpow2.f32 v12;
	v14 =	vadd.f32 v46, v15  }
0x88: {  	v47 =	vpop (erf)  }
0x89: {  	(erf) = vpow2.f32 v13;
	v12 =	vadd.f32 v14, v47  }
0x8a: {  	v48 =	vpop (erf)  }
0x8b: {  	v12 =	vadd.f32 v12, v48  }
0x8c: {  	v49 =	vpop (erf)  }
0x8d: {  	v12 =	vadd.f32 v12, v49  }
0x8e: {  	vm0 =	veq.f32 v11, v10;
	v50 =	vpop (erf)  }
0x8f: {  	vm1 =	veq.f32 v9, v10;
	v51 =	vsel vm0, $0x7, v0;
	v11 =	vadd.f32 v12, v50  }
0x90: {  	vm11 =	veq.f32 v8, v10;
	v52 =	vsel vm1, $0x6, v51;
	v53 =	vpop (erf)  }
0x91: {  	vm12 =	veq.f32 v7, v10;
	v54 =	vsel vm11, $0x5, v52;
	v55 =	vadd.f32 v11, v53  }
0x92: {  	vm13 =	veq.f32 v6, v10;
	v56 =	vsel vm12, $0x4, v54;
	v57 =	vpop (erf)  }
0x93: {  	vm14 =	veq.f32 v5, v10;
	v58 =	vsel vm13, $0x3, v56;
	v59 =	vadd.f32 v55, v57  }
0x94: {  	v60 =	vmov s9;
	vm15 =	veq.f32 v3, v10;
	v3 =	vsel vm14, $0x2, v58  }
0x95: {  	vm2 =	veq.f32 v4, v10;
	v3 =	vsel vm15, $0x1, v3;
	(erf) = vrcp.f32 v59  }
0x96: {  	v61 =	vor.u32 s9, v1;
	v4 =	vshll.u32 v60, $0x3;
	v3 =	vsel vm2, $0x0, v3  }
0x97: {  	[tilespmem:s11+$0x800] =	vst v2;
	v5 =	vand.u32 $0x7F, v61;
	v4 =	vand.u32 $0x400, v4;
	v62 =	vshll.u32 v3, $0x8  }
0x98: {  	[tilespmem:s12+$0x800] =	vst v2;
	v4 =	vor.u32 v4, v5;
	v3 =	vshll.u32 v3, $0x7;
	v6 =	vand.u32 $0x7FFFF800, v62  }
0x99: {  	[tilespmem:s11+$0x900] =	vst v2;
	v3 =	vand.u32 $0x380, v3;
	v4 =	vor.u32 v6, v4  }
0x9a: {  	[tilespmem:s30+$0x800] =	vst v2;
	v3 =	vor.u32 v3, v4  }
0x9b: {  	[tilespmem:s11+$0xA00] =	vst v2  }
0x9c: {  	[tilespmem:s14+$0x800] =	vst v2  }
0x9d: {  	s8 =	sadd.s32 $0x1, s8;
	[tilespmem:s11+$0xB00] =	vst v2  }
0x9e: {  	p0 =	sne.s32 s8, s5;
	[tilespmem:s10+$0x800] =	vst v2;
	v63 =	vpop (erf)  }
.Ltmp1:
0x9f: {  	[tilespmem:v3+s7+$0x0] =	vst.idx.msk $0xffff, v63;
	(pc) =	sbr.rel @p0 .LBB2_1-.Ltmp1, $4  }
0xa0: {  	[hbm4b:s4+s2] =	stream.linear.scatter [tilespmem:s7], [sflag:$0x1], $0x800, $0x38;
	[tilespmem:$0x1000] =	vst v63  }
0xa1: {  	_ =	swait.ge [sflag:s6], $0x800  }
0xa2: {  	[sflag:s6] =	ssyncset.done $0x0  }
0xa3: {  	[sflag:s6] =	ssyncadd.s32 $0xFFFFF800  }
0xa4: {  	_ =	sfence.sel $0x180000  }
0xa5: {  	[bflag:$0x0] =	sbarrier.arrive $0xFFFF  }
0xa6: {  	p0 =	sne.s32 s1, $0x0;
	_ =	strace $0x90000050  }
0xa7: {  	s0 =	sadd.s32 @!p0 $0x100000, s0;
	[bflag:$0x2] =	sbarrier.arrive $0xFFFF  }
0xa8: {  	[sflag:s0] =	ssyncadd.tile.s32 @!p0 $0x1;
	_ =	shalt  }
.Lfunc_end2:
_tile_overlayer_lowered:
.L_overlay_start_2:
0xa9: {  	(tag) =	ssettag $0x2  }
0xaa: {  	s0 =	rddreg [dreg:$0x0];
	s2 =	stileid.u32  }
0xab: {  	s1 =	rddreg [dreg:$0x1];
	p0 =	sne.s32 s2, $0x0  }
0xac: {  	s3 =	rddreg [dreg:$0x2];
	[bflag:$0x3] =	sbarrier.arrive $0xFFFF;
	s2 =	simm.s32 @!p0 $0x1C01  }
0xad: {  	[timem:s3], [sflag:s2] =	dma.local @!p0 [hbm:s0], s1  }
0xae: {  	s0 =	simm.s32 @!p0 $0x1  }
0xaf: {  	_ =	swait.ge @!p0 [sflag:s0], s1  }
0xb0: {  	s1 =	ssub.s32 @!p0 $0x0, s1;
	[sflag:s0] =	ssyncset.done @!p0 $0x0  }
0xb1: {  	[sflag:s0] =	ssyncadd.s32 @!p0 s1  }
0xb2: {  	[bflag:$0x3] =	sbarrier.arrive $0xFFFF  }
0xb3: {  	_ =	shalt  }

</sc_bundles>
